<compile_context>
chip_gen: v7x
topology: tpu7x:2x2x1
jax: 0.10.2.dev20260603
libtpu: 0.0.44.dev20260713+nightly
codegen_flags: <defaults>
</compile_context>

<pallas_src>
import functools

import jax
import jax.numpy as jnp
from jax import lax
from jax.experimental import pallas as pl
from jax.experimental.pallas import tpu as pltpu
from jax.experimental.pallas import tpu_sc as plsc

_B, _N, _S, _K = 8, 4096, 1024, 64
_R2 = 0.2 ** 2
_C1, _C2, _C3 = 128, 128, 256
_NW = 32
_CPT = (_B * _S) // _NW
_L = 16
_GS = 2
_NTOT = _B * _S * _K



def _fps_body(xs_ref, ys_ref, zs_ref, cx_ref, cy_ref, cz_ref, dist_ref):
    iota = lax.broadcasted_iota(jnp.int32, (_B, _N), 1)
    dist_ref[...] = jnp.full((_B, _N), 1e10, jnp.float32)
    xs = xs_ref[...]
    ys = ys_ref[...]
    zs = zs_ref[...]

    lane128 = lax.broadcasted_iota(jnp.int32, (_B, 128), 1)

    def body(i, carry):
        far, dist0, ccx, ccy, ccz = carry
        m = iota == far
        cx = jnp.sum(jnp.where(m, xs, 0.0), axis=1, keepdims=True)
        cy = jnp.sum(jnp.where(m, ys, 0.0), axis=1, keepdims=True)
        cz = jnp.sum(jnp.where(m, zs, 0.0), axis=1, keepdims=True)
        lm = lane128 == (i % 128)
        ccx = jnp.where(lm, cx, ccx)
        ccy = jnp.where(lm, cy, ccy)
        ccz = jnp.where(lm, cz, ccz)

        @pl.when(i % 128 == 127)
        def _():
            base = pl.multiple_of(i - 127, 128)
            cx_ref[:, pl.ds(base, 128)] = ccx
            cy_ref[:, pl.ds(base, 128)] = ccy
            cz_ref[:, pl.ds(base, 128)] = ccz

        dx = xs - cx
        dy = ys - cy
        dz = zs - cz
        dd = (dx * dx + dy * dy) + dz * dz
        dist = jnp.minimum(dist0, dd)
        mx = jnp.max(dist, axis=1, keepdims=True)
        far2 = jnp.min(jnp.where(dist == mx, iota, _N), axis=1, keepdims=True)
        return far2.astype(jnp.int32), dist, ccx, ccy, ccz

    zc = jnp.zeros((_B, 128), jnp.float32)
    lax.fori_loop(0, _S, body,
                  (jnp.zeros((_B, 1), jnp.int32),
                   jnp.full((_B, _N), 1e10, jnp.float32), zc, zc, zc))


def _fps(xs, ys, zs):
    return pl.pallas_call(
        _fps_body,
        out_shape=[jax.ShapeDtypeStruct((_B, _S), jnp.float32)] * 3,
        scratch_shapes=[pltpu.VMEM((_B, _N), jnp.float32)],
    )(xs, ys, zs)



def _g1_body(t_ref, cp_ref, w0_ref, b0_ref, g1_ref, c1_ref):
    w = w0_ref[...].astype(jnp.bfloat16)
    tb = t_ref[0].astype(jnp.bfloat16)
    g1 = lax.dot_general(tb, w, (((1,), (0,)), ((), ())),
                         preferred_element_type=jnp.float32)
    g1_ref[0] = g1 + b0_ref[...]
    cpb = cp_ref[0].astype(jnp.bfloat16)
    c1 = lax.dot_general(cpb, w[0:3, :], (((1,), (0,)), ((), ())),
                         preferred_element_type=jnp.float32)
    c1_ref[0] = c1


def _g1(t, cp, w0, b0):
    return pl.pallas_call(
        _g1_body,
        grid=(_B,),
        in_specs=[
            pl.BlockSpec((1, _N, 131), lambda b: (b, 0, 0)),
            pl.BlockSpec((1, _S, 3), lambda b: (b, 0, 0)),
            pl.BlockSpec((131, _C1), lambda b: (0, 0)),
            pl.BlockSpec((1, _C1), lambda b: (0, 0)),
        ],
        out_specs=[
            pl.BlockSpec((1, _N, _C1), lambda b: (b, 0, 0)),
            pl.BlockSpec((1, _S, _C1), lambda b: (b, 0, 0)),
        ],
        out_shape=[
            jax.ShapeDtypeStruct((_B, _N, _C1), jnp.float32),
            jax.ShapeDtypeStruct((_B, _S, _C1), jnp.float32),
        ],
    )(t, cp, w0, b0)



def _bq_body(cx_ref, cy_ref, cz_ref, xs_ref, ys_ref, zs_ref, p_ref, pk_ref):
    r2 = jnp.float32(_R2)
    cx = cx_ref[...]
    cy = cy_ref[...]
    cz = cz_ref[...]
    xs = xs_ref[0]
    ys = ys_ref[0]
    zs = zs_ref[0]
    aa = (cx * cx + cy * cy) + cz * cz
    bb = (xs * xs + ys * ys) + zs * zs
    cxr = cx.astype(jnp.bfloat16).astype(jnp.float32)
    cyr = cy.astype(jnp.bfloat16).astype(jnp.float32)
    czr = cz.astype(jnp.bfloat16).astype(jnp.float32)
    xsr = xs.astype(jnp.bfloat16).astype(jnp.float32)
    ysr = ys.astype(jnp.bfloat16).astype(jnp.float32)
    zsr = zs.astype(jnp.bfloat16).astype(jnp.float32)
    ab = (cxr * xsr + cyr * ysr) + czr * zsr
    d2 = (aa + bb) - 2.0 * ab
    mk = jnp.where(d2 > r2, 0.0, 1.0).astype(jnp.bfloat16)
    pk = lax.dot_general(mk, p_ref[...], (((1,), (0,)), ((), ())),
                         preferred_element_type=jnp.float32)
    pk_ref[...] = pk


def _bq(cxcol, cycol, czcol, xs, ys, zs, pmat):
    nblk = (_B * _S) // 256
    return pl.pallas_call(
        _bq_body,
        grid=(nblk,),
        in_specs=[
            pl.BlockSpec((256, 1), lambda g: (g, 0)),
            pl.BlockSpec((256, 1), lambda g: (g, 0)),
            pl.BlockSpec((256, 1), lambda g: (g, 0)),
            pl.BlockSpec((1, 1, _N), lambda g: (g // 4, 0, 0)),
            pl.BlockSpec((1, 1, _N), lambda g: (g // 4, 0, 0)),
            pl.BlockSpec((1, 1, _N), lambda g: (g // 4, 0, 0)),
            pl.BlockSpec((_N, 256), lambda g: (0, 0)),
        ],
        out_specs=pl.BlockSpec((256, 256), lambda g: (g, 0)),
        out_shape=jax.ShapeDtypeStruct((_B * _S, 256), jnp.float32),
    )(cxcol, cycol, czcol,
      xs.reshape(_B, 1, _N), ys.reshape(_B, 1, _N), zs.reshape(_B, 1, _N),
      pmat)




def _sc_body(pk_hbm, g1_hbm, xg_hbm, pkbuf, selbuf, hwrow, idxv, rowsv,
             gsem0, gsem1, wsem0, wsem1):
    wid = lax.axis_index("s") * 2 + lax.axis_index("c")
    tpb = _NW // _B
    b = wid // tpb
    sbase = (wid % tpb) * _CPT

    pltpu.sync_copy(pk_hbm.at[pl.ds(wid * _CPT * 256, _CPT * 256)], pkbuf)

    boff = b * _N
    gsems = (gsem0, gsem1)
    wsems = (wsem0, wsem1)
    lanes = lax.iota(jnp.int32, _L)

    def scan_center(i_loc):
        base = i_loc * 256

        def cond(st):
            ch, cursor = st
            return jnp.logical_and(ch < 16, cursor < _K)

        def chunk(st):
            ch, cursor = st
            pvi = pkbuf[pl.ds(base + ch * _L, _L)].astype(jnp.int32)
            mz = pvi != 0
            rem = plsc.all_reduce_population_count(mz)[0]
            hwrow[pl.ds(0, _L)] = pvi
            chb = ch * 256

            def hwl(k, st2):
                mzv, cur2 = st2
                j = plsc.all_reduce_ffs(mzv)[0]
                v = hwrow[pl.ds(j, _L)][0]
                nb = chb + j * _L

                def bcond(st3):
                    return st3[0] > 0

                def bbody(st3):
                    v3, c3 = st3
                    bit = v3 & (-v3)
                    e = (lax.bitcast_convert_type(
                        bit.astype(jnp.float32), jnp.int32) >> 23) - 127
                    selbuf[pl.ds(c3, _L)] = jnp.full((_L,), nb + e, jnp.int32)
                    return v3 & (v3 - 1), c3 + 1

                _, cur2 = lax.while_loop(bcond, bbody, (v, cur2))
                mzv = jnp.logical_and(mzv, lanes != j)
                return mzv, cur2

            _, cursor = lax.fori_loop(0, rem, hwl, (mz, cursor))
            return ch + 1, cursor

        _, cursor = lax.while_loop(cond, chunk, (jnp.int32(0), jnp.int32(0)))
        return cursor

    def fill_idx(sl, g_in_grp, cursor):
        first = selbuf[pl.ds(0, _L)][0]
        for q in range(_K // _L):
            cur = selbuf[pl.ds(q * _L, _L)]
            pid = lax.iota(jnp.int32, _L) + (q * _L)
            idxv[sl, pl.ds(g_in_grp * _K + q * _L, _L)] = (
                jnp.where(pid < cursor, cur, first) + boff)

    ngrp = _CPT // _GS

    def per_gpair(g2, carry):
        for sl in (0, 1):
            g = g2 * 2 + sl

            @pl.when(g2 > 0)
            def _():
                pltpu.make_async_copy(
                    g1_hbm.at[idxv.at[sl]], rowsv.at[sl], gsems[sl]).wait()
                prev = sbase + (g - 2) * _GS
                pltpu.async_copy(
                    rowsv.at[sl],
                    xg_hbm.at[pl.ds((b * _S + prev) * _K, _GS * _K)],
                    wsems[sl])

            for u in range(_GS):
                cursor = scan_center(g * _GS + u)
                fill_idx(sl, u, cursor)

            @pl.when(g2 > 0)
            def _():
                pltpu.make_async_copy(
                    rowsv.at[sl], xg_hbm.at[pl.ds(0, _GS * _K)],
                    wsems[sl]).wait()

            pltpu.async_copy(g1_hbm.at[idxv.at[sl]], rowsv.at[sl], gsems[sl])
        return carry

    lax.fori_loop(0, ngrp // 2, per_gpair, 0)

    for g in (ngrp - 2, ngrp - 1):
        sl = g % 2
        pltpu.make_async_copy(
            g1_hbm.at[idxv.at[sl]], rowsv.at[sl], gsems[sl]).wait()
        pltpu.sync_copy(
            rowsv.at[sl],
            xg_hbm.at[pl.ds((b * _S + sbase + g * _GS) * _K, _GS * _K)])


def _sc_group_gather(pk1d, g1flat):
    mesh = plsc.VectorSubcoreMesh(core_axis_name="c", subcore_axis_name="s")
    kfn = functools.partial(
        pl.kernel,
        mesh=mesh,
        compiler_params=pltpu.CompilerParams(needs_layout_passes=False),
        out_type=jax.ShapeDtypeStruct((_NTOT, _C1), jnp.float32),
        scratch_types=[
            pltpu.VMEM((_CPT * 256,), jnp.float32),
            pltpu.VMEM((_N + _L,), jnp.int32),
            pltpu.VMEM((2 * _L,), jnp.int32),
            pltpu.VMEM((2, _GS * _K), jnp.int32),
            pltpu.VMEM((2, _GS * _K, _C1), jnp.float32),
            pltpu.SemaphoreType.DMA,
            pltpu.SemaphoreType.DMA,
            pltpu.SemaphoreType.DMA,
            pltpu.SemaphoreType.DMA,
        ],
    )(_sc_body)
    return kfn(pk1d, g1flat)



_BLK = 2048
_GRID = _NTOT // _BLK


def _p1_body(xg_ref, c1_ref, s_ref, ss_ref, accs, accss):
    g = pl.program_id(0)

    @pl.when(g == 0)
    def _():
        accs[...] = jnp.zeros_like(accs)
        accss[...] = jnp.zeros_like(accss)

    x = xg_ref[...]
    c = c1_ref[...]
    y = x.reshape(_BLK // _K, _K, _C1) - c[:, None, :]
    accs[...] += jnp.sum(y, axis=(0, 1))[None]
    accss[...] += jnp.sum(y * y, axis=(0, 1))[None]

    @pl.when(g == _GRID - 1)
    def _():
        s_ref[...] = accs[...]
        ss_ref[...] = accss[...]


def _p1(xg, c1flat):
    return pl.pallas_call(
        _p1_body,
        grid=(_GRID,),
        in_specs=[
            pl.BlockSpec((_BLK, _C1), lambda g: (g, 0)),
            pl.BlockSpec((_BLK // _K, _C1), lambda g: (g, 0)),
        ],
        out_specs=[
            pl.BlockSpec((1, _C1), lambda g: (0, 0)),
            pl.BlockSpec((1, _C1), lambda g: (0, 0)),
        ],
        out_shape=[jax.ShapeDtypeStruct((1, _C1), jnp.float32)] * 2,
        scratch_shapes=[pltpu.VMEM((1, _C1), jnp.float32)] * 2,
    )(xg, c1flat)


def _p2_body(xg_ref, c1_ref, w1_ref, b1_ref, sc_ref, sh_ref,
             y2_ref, s_ref, ss_ref, accs, accss):
    g = pl.program_id(0)

    @pl.when(g == 0)
    def _():
        accs[...] = jnp.zeros_like(accs)
        accss[...] = jnp.zeros_like(accss)

    x = xg_ref[...]
    c = c1_ref[...]
    y1 = x.reshape(_BLK // _K, _K, _C1) - c[:, None, :]
    h1 = jnp.maximum(y1 * sc_ref[...][0] + sh_ref[...][0], 0.0)
    h1 = h1.reshape(_BLK, _C1).astype(jnp.bfloat16)
    w = w1_ref[...].astype(jnp.bfloat16)
    y2 = lax.dot_general(h1, w, (((1,), (0,)), ((), ())),
                         preferred_element_type=jnp.float32) + b1_ref[...]
    y2_ref[...] = y2
    accs[...] += jnp.sum(y2, axis=0)[None]
    accss[...] += jnp.sum(y2 * y2, axis=0)[None]

    @pl.when(g == _GRID - 1)
    def _():
        s_ref[...] = accs[...]
        ss_ref[...] = accss[...]


def _p2(xg, c1flat, w1, b1, sc1, sh1):
    return pl.pallas_call(
        _p2_body,
        grid=(_GRID,),
        in_specs=[
            pl.BlockSpec((_BLK, _C1), lambda g: (g, 0)),
            pl.BlockSpec((_BLK // _K, _C1), lambda g: (g, 0)),
            pl.BlockSpec((_C1, _C2), lambda g: (0, 0)),
            pl.BlockSpec((1, _C2), lambda g: (0, 0)),
            pl.BlockSpec((1, _C1), lambda g: (0, 0)),
            pl.BlockSpec((1, _C1), lambda g: (0, 0)),
        ],
        out_specs=[
            pl.BlockSpec((_BLK, _C2), lambda g: (g, 0)),
            pl.BlockSpec((1, _C2), lambda g: (0, 0)),
            pl.BlockSpec((1, _C2), lambda g: (0, 0)),
        ],
        out_shape=[
            jax.ShapeDtypeStruct((_NTOT, _C2), jnp.float32),
            jax.ShapeDtypeStruct((1, _C2), jnp.float32),
            jax.ShapeDtypeStruct((1, _C2), jnp.float32),
        ],
        scratch_shapes=[pltpu.VMEM((1, _C2), jnp.float32)] * 2,
    )(xg, c1flat, w1, b1, sc1, sh1)


def _p3_body(y2_ref, w2_ref, b2_ref, sc_ref, sh_ref,
             mx_ref, mn_ref, s_ref, ss_ref, accs, accss):
    g = pl.program_id(0)

    @pl.when(g == 0)
    def _():
        accs[...] = jnp.zeros_like(accs)
        accss[...] = jnp.zeros_like(accss)

    y2 = y2_ref[...]
    h2 = jnp.maximum(y2 * sc_ref[...] + sh_ref[...], 0.0).astype(jnp.bfloat16)
    w = w2_ref[...].astype(jnp.bfloat16)
    y3 = lax.dot_general(h2, w, (((1,), (0,)), ((), ())),
                         preferred_element_type=jnp.float32) + b2_ref[...]
    accs[...] += jnp.sum(y3, axis=0)[None]
    accss[...] += jnp.sum(y3 * y3, axis=0)[None]
    y3r = y3.reshape(_BLK // _K, _K, _C3)
    mx_ref[...] = jnp.max(y3r, axis=1)
    mn_ref[...] = jnp.min(y3r, axis=1)

    @pl.when(g == _GRID - 1)
    def _():
        s_ref[...] = accs[...]
        ss_ref[...] = accss[...]


def _p3(y2, w2, b2, sc2, sh2):
    return pl.pallas_call(
        _p3_body,
        grid=(_GRID,),
        in_specs=[
            pl.BlockSpec((_BLK, _C2), lambda g: (g, 0)),
            pl.BlockSpec((_C2, _C3), lambda g: (0, 0)),
            pl.BlockSpec((1, _C3), lambda g: (0, 0)),
            pl.BlockSpec((1, _C2), lambda g: (0, 0)),
            pl.BlockSpec((1, _C2), lambda g: (0, 0)),
        ],
        out_specs=[
            pl.BlockSpec((_BLK // _K, _C3), lambda g: (g, 0)),
            pl.BlockSpec((_BLK // _K, _C3), lambda g: (g, 0)),
            pl.BlockSpec((1, _C3), lambda g: (0, 0)),
            pl.BlockSpec((1, _C3), lambda g: (0, 0)),
        ],
        out_shape=[
            jax.ShapeDtypeStruct((_B * _S, _C3), jnp.float32),
            jax.ShapeDtypeStruct((_B * _S, _C3), jnp.float32),
            jax.ShapeDtypeStruct((1, _C3), jnp.float32),
            jax.ShapeDtypeStruct((1, _C3), jnp.float32),
        ],
        scratch_shapes=[pltpu.VMEM((1, _C3), jnp.float32)] * 2,
    )(y2, w2, b2, sc2, sh2)


def _p4_body(mx_ref, mn_ref, sc_ref, sh_ref, o_ref):
    sc = sc_ref[...]
    m = jnp.where(sc > 0.0, mx_ref[...], mn_ref[...])
    o_ref[...] = jnp.maximum(m * sc + sh_ref[...], 0.0)


def _p4(mx, mn, sc3, sh3):
    return pl.pallas_call(
        _p4_body,
        out_shape=jax.ShapeDtypeStruct((_B * _S, _C3), jnp.float32),
    )(mx, mn, sc3, sh3)


def _affine(s, ss, g, be):
    n = jnp.float32(_NTOT)
    mean = s[0] / n
    var = ss[0] / n - mean * mean
    scale = g / jnp.sqrt(var + 1e-5)
    shift = be - mean * scale
    return scale[None], shift[None]



def kernel(pos, feat, W0, b0, g0, be0, W1, b1, g1, be1, W2, b2, g2, be2):
    xs = pos[..., 0]
    ys = pos[..., 1]
    zs = pos[..., 2]
    cx, cy, cz = _fps(xs, ys, zs)
    center_pos = jnp.stack([cx, cy, cz], axis=-1)

    t = jnp.concatenate([pos, feat], axis=-1)
    g1t, c1t = _g1(t, center_pos, W0, b0[None])
    g1flat = g1t.reshape(_B * _N, _C1)
    c1flat = c1t.reshape(_B * _S, _C1)

    rows = jnp.arange(_N, dtype=jnp.int32)
    pmat = jnp.where(rows[:, None] // 16 == jnp.arange(256, dtype=jnp.int32)[None, :],
                     (1 << (rows[:, None] % 16)).astype(jnp.float32),
                     0.0).astype(jnp.bfloat16)
    pk = _bq(cx.reshape(-1, 1), cy.reshape(-1, 1), cz.reshape(-1, 1),
             xs, ys, zs, pmat)
    xg = _sc_group_gather(pk.reshape(-1), g1flat)

    s1, ss1 = _p1(xg, c1flat)
    sc1, sh1 = _affine(s1, ss1, g0, be0)
    y2, s2, ss2 = _p2(xg, c1flat, W1, b1[None], sc1, sh1)
    sc2, sh2 = _affine(s2, ss2, g1, be1)
    mx, mn, s3, ss3 = _p3(y2, W2, b2[None], sc2, sh2)
    sc3, sh3 = _affine(s3, ss3, g2, be2)
    out = _p4(mx, mn, sc3, sh3)
    new_feat = out.reshape(_B, _S, _C3)
    return center_pos, new_feat

# --- scband reference (transcript-rebuilt; emitter-appended) ---
"""Pipeline reference for scband-samodule-33698313404554 (READ-ONLY COPY).

The authoritative reference and input builder live on the scoring server;
editing this copy changes nothing except your own understanding.
"""

import jax, jax.numpy as jnp
import numpy as np

NPOINTS = 1024
RADIUS = 0.2
N_NEIGHBOR = 64
MLP_SIZES = [131, 128, 128, 256]


def square_distance(a, b):
    aa = jnp.sum(a * a, axis=-1)[:, :, None]
    bb = jnp.sum(b * b, axis=-1)[:, None, :]
    ab = jnp.einsum('bsc,bnc->bsn', a, b)
    return aa + bb - 2.0 * ab


def index_points(points, idx):
    if idx.ndim == 2:
        return jnp.take_along_axis(points, idx[..., None], axis=1)
    B, S, K = idx.shape
    flat = idx.reshape(B, S * K)
    out = jnp.take_along_axis(points, flat[..., None], axis=1)
    return out.reshape(B, S, K, points.shape[-1])


def farthest_point_sample(pos, npoints):
    B, N, C = pos.shape

    def body(i, state):
        centroids, distance, farthest = state
        centroids = centroids.at[:, i].set(farthest)
        idx = jnp.broadcast_to(farthest[:, None, None], (B, 1, C))
        centroid = jnp.take_along_axis(pos, idx, axis=1)
        dist = jnp.sum((pos - centroid) ** 2, axis=-1)
        distance = jnp.minimum(distance, dist)
        farthest = jnp.argmax(distance, axis=-1).astype(jnp.int32)
        return centroids, distance, farthest

    centroids = jnp.zeros((B, npoints), dtype=jnp.int32)
    distance = jnp.full((B, N), 1e10, dtype=jnp.float32)
    farthest = jnp.zeros((B,), dtype=jnp.int32)
    centroids, _, _ = jax.lax.fori_loop(0, npoints, body, (centroids, distance, farthest))
    return centroids


def ball_query(center_pos, pos, radius, k):
    B, S, _ = center_pos.shape
    N = pos.shape[1]
    sqrdists = square_distance(center_pos, pos)
    group_idx = jnp.broadcast_to(jnp.arange(N, dtype=jnp.int32), (B, S, N))
    group_idx = jnp.where(sqrdists > radius ** 2, N, group_idx)
    group_idx = jnp.sort(group_idx, axis=-1)[:, :, :k]
    group_first = jnp.broadcast_to(group_idx[:, :, 0:1], group_idx.shape)
    group_idx = jnp.where(group_idx == N, group_first, group_idx)
    return group_idx.astype(jnp.int32)


def apply_mlp(x, params):
    for (W, b, g, be) in params:
        x = x @ W + b
        mean = jnp.mean(x, axis=(0, 1, 2))
        var = jnp.var(x, axis=(0, 1, 2))
        x = (x - mean) / jnp.sqrt(var + 1e-5) * g + be
        x = jax.nn.relu(x)
    return x


def setup_inputs(seed: int = 0):
    key = jax.random.key(seed)
    ks = jax.random.split(key, 8)
    pos = jax.random.uniform(ks[0], (8, 4096, 3), dtype=jnp.float32)
    feat = jax.random.normal(ks[1], (8, 4096, 128), dtype=jnp.float32)
    inp = {'pos': pos, 'feat': feat}
    for i in range(3):
        cin, cout = MLP_SIZES[i], MLP_SIZES[i + 1]
        inp['W%d' % i] = jax.random.normal(ks[2 + i], (cin, cout), dtype=jnp.float32) * (1.0 / np.sqrt(cin))
        inp['b%d' % i] = jnp.zeros((cout,), dtype=jnp.float32)
        inp['g%d' % i] = jnp.ones((cout,), dtype=jnp.float32)
        inp['be%d' % i] = jnp.zeros((cout,), dtype=jnp.float32)
    return inp


def reference(pos, feat, W0, b0, g0, be0, W1, b1, g1, be1, W2, b2, g2, be2):
    centroids = farthest_point_sample(pos, NPOINTS)
    center_pos = index_points(pos, centroids)
    group_idx = ball_query(center_pos, pos, RADIUS, N_NEIGHBOR)
    grouped_pos = index_points(pos, group_idx) - center_pos[:, :, None, :]
    grouped_feat = index_points(feat, group_idx)
    x = jnp.concatenate([grouped_pos, grouped_feat], axis=-1)
    params = [(W0, b0, g0, be0), (W1, b1, g1, be1), (W2, b2, g2, be2)]
    x = apply_mlp(x, params)
    new_feat = jnp.max(x, axis=2)
    return center_pos, new_feat

if __name__ == "__main__":
    import jax
    _d = setup_inputs()
    print(jax.jit(kernel)(*tuple(_d.values())))

</pallas_src>

<mosaic_0001>
#map = affine_map<(d0, d1) -> (0)>
#map1 = affine_map<(d0, d1) -> (0, 0)>
module attributes {stable_mosaic.version = 14 : i64} {
  func.func @_sc_body(%arg0: i32, %arg1: i32, %arg2: memref<2097152xf32, #tpu.memory_space<hbm>>, %arg3: memref<32768x128xf32, #tpu.memory_space<hbm>>, %arg4: memref<524288x128xf32, #tpu.memory_space<hbm>>, %arg5: memref<65536xf32, #tpu.memory_space<vmem>>, %arg6: memref<4112xi32, #tpu.memory_space<vmem>>, %arg7: memref<32xi32, #tpu.memory_space<vmem>>, %arg8: memref<2x128xi32, #tpu.memory_space<vmem>>, %arg9: memref<2x128x128xf32, #tpu.memory_space<vmem>>, %arg10: memref<!tpu.dma_semaphore, #tpu.memory_space<semaphore_mem>>, %arg11: memref<!tpu.dma_semaphore, #tpu.memory_space<semaphore_mem>>, %arg12: memref<!tpu.dma_semaphore, #tpu.memory_space<semaphore_mem>>, %arg13: memref<!tpu.dma_semaphore, #tpu.memory_space<semaphore_mem>>) attributes {dimension_semantics = [#tpu.dimension_semantics<core_parallel>, #tpu.dimension_semantics<subcore_parallel>], iteration_bounds = array<i64: 2, 16>, scalar_prefetch = 0 : i64, scratch_operands = 9 : i64, tpu.core_type = #tpu.core_type<sc_vector_subcore>, window_params = [{transform_indices = #map}, {transform_indices = #map1}, {transform_indices = #map1}]} {
    %mul3A = arith.constant 2 : i32
    %mul3A_0 = arith.muli %arg1, %mul3A : i32
    %add3A = arith.addi %mul3A_0, %arg0 : i32
    %jit3A = arith.constant 4 : i32
    %div3A = arith.divsi %add3A, %jit3A : i32
    %sign3A = arith.constant 0 : i32
    %sign3A_1 = arith.cmpi sgt, %add3A, %sign3A : i32
    %sign3A_2 = arith.extui %sign3A_1 : i1 to i32
    %sign3A_3 = arith.constant 0 : i32
    %sign3A_4 = arith.cmpi slt, %add3A, %sign3A_3 : i32
    %sign3A_5 = arith.extui %sign3A_4 : i1 to i32
    %sign3A_6 = arith.subi %sign3A_2, %sign3A_5 : i32
    %sign3A_7 = arith.constant 0 : i32
    %sign3A_8 = arith.cmpi sgt, %jit3A, %sign3A_7 : i32
    %sign3A_9 = arith.extui %sign3A_8 : i1 to i32
    %sign3A_10 = arith.constant 0 : i32
    %sign3A_11 = arith.cmpi slt, %jit3A, %sign3A_10 : i32
    %sign3A_12 = arith.extui %sign3A_11 : i1 to i32
    %sign3A_13 = arith.subi %sign3A_9, %sign3A_12 : i32
    %ne3A = arith.cmpi ne, %sign3A_6, %sign3A_13 : i32
    %rem3A = arith.remsi %add3A, %jit3A : i32
    %ne3A_14 = arith.constant 0 : i32
    %ne3A_15 = arith.cmpi ne, %rem3A, %ne3A_14 : i32
    %and3A = arith.andi %ne3A, %ne3A_15 : i1
    %sub3A = arith.constant 1 : i32
    %sub3A_16 = arith.subi %div3A, %sub3A : i32
    %select_n3A = arith.select %and3A, %sub3A_16, %div3A : i32
    %jit3A_17 = arith.constant 4 : i32
    %eq3A = arith.constant 0 : i32
    %eq3A_18 = arith.cmpi eq, %jit3A_17, %eq3A : i32
    %jit3A_19 = arith.constant 1 : i32
    %select_n3A_20 = arith.select %eq3A_18, %jit3A_19, %jit3A_17 : i32
    %rem3A_21 = arith.remsi %add3A, %select_n3A_20 : i32
    %ne3A_22 = arith.constant 0 : i32
    %ne3A_23 = arith.cmpi ne, %rem3A_21, %ne3A_22 : i32
    %lt3A = arith.constant 0 : i32
    %lt3A_24 = arith.cmpi slt, %rem3A_21, %lt3A : i32
    %lt3A_25 = arith.constant 0 : i32
    %lt3A_26 = arith.cmpi slt, %select_n3A_20, %lt3A_25 : i32
    %ne3A_27 = arith.xori %lt3A_24, %lt3A_26 : i1
    %and3A_28 = arith.andi %ne3A_27, %ne3A_23 : i1
    %add3A_29 = arith.addi %rem3A_21, %select_n3A_20 : i32
    %select_n3A_30 = arith.select %and3A_28, %add3A_29, %rem3A_21 : i32
    %mul3A_31 = arith.constant 256 : i32
    %mul3A_32 = arith.muli %select_n3A_30, %mul3A_31 : i32
    %mul3A_33 = arith.constant 256 : i32
    %mul3A_34 = arith.muli %add3A, %mul3A_33 : i32
    %mul3A_35 = arith.constant 256 : i32
    %mul3A_36 = arith.muli %mul3A_34, %mul3A_35 : i32
    "tpu.region"() ({
      %run_scoped3A_82 = tpu.sem_alloc : memref<!tpu.dma_semaphore, #tpu.memory_space<semaphore_mem>>
      %dma_start3A = tpu.memref_slice %arg2[%mul3A_36] : memref<2097152xf32, #tpu.memory_space<hbm>> -> memref<65536xf32, #tpu.memory_space<hbm>>
      %dma_start3A_83 = tpu.memref_slice %arg2[%mul3A_36] : memref<2097152xf32, #tpu.memory_space<hbm>> -> memref<65536xf32, #tpu.memory_space<hbm>>
      tpu.enqueue_dma source(%dma_start3A_83 : memref<65536xf32, #tpu.memory_space<hbm>>) target(%arg5 : memref<65536xf32, #tpu.memory_space<vmem>>) target_semaphore(%run_scoped3A_82 : memref<!tpu.dma_semaphore, #tpu.memory_space<semaphore_mem>>)
      %dma_wait3A_84 = tpu.memref_slice %arg2[%mul3A_36] : memref<2097152xf32, #tpu.memory_space<hbm>> -> memref<65536xf32, #tpu.memory_space<hbm>>
      %dma_wait3A_85 = tpu.memref_slice %arg2[%mul3A_36] : memref<2097152xf32, #tpu.memory_space<hbm>> -> memref<65536xf32, #tpu.memory_space<hbm>>
      tpu.wait_dma2 semaphore(%run_scoped3A_82 : memref<!tpu.dma_semaphore, #tpu.memory_space<semaphore_mem>>) src(%dma_wait3A_85 : memref<65536xf32, #tpu.memory_space<hbm>>) dst(%arg5 : memref<65536xf32, #tpu.memory_space<vmem>>)
      tpu.yield
    }) : () -> ()
    %mul3A_37 = arith.constant 4096 : i32
    %mul3A_38 = arith.muli %select_n3A, %mul3A_37 : i32
    %iota3A = tpu.iota {dimensions = array<i32: 0>} : vector<16xi32>
    %scan3A = arith.constant 0 : i32
    %scan3A_39 = arith.constant 0 : i32
    %scan3A_40 = arith.constant 64 : i32
    %scan3A_41 = arith.addi %scan3A_39, %scan3A_40 : i32
    %scan3A_42 = arith.constant 1 : i32
    scf.for %scan3A_82 = %scan3A_39 to %scan3A_41 step %scan3A_42  : i32 {
      %mul3A_83 = arith.constant 2 : i32
      %mul3A_84 = arith.muli %scan3A_82, %mul3A_83 : i32
      %add3A_85 = arith.constant 0 : i32
      %add3A_86 = arith.addi %mul3A_84, %add3A_85 : i32
      %gt3A = arith.constant 0 : i32
      %gt3A_87 = arith.cmpi sgt, %scan3A_82, %gt3A : i32
      %convert_element_type3A = arith.extui %gt3A_87 : i1 to i32
      %cond3A = arith.constant 0 : i32
      %cond3A_88 = arith.cmpi ne, %convert_element_type3A, %cond3A : i32
      scf.if %cond3A_88 {
        %dma_wait3A_433 = arith.constant 0 : i32
        %dma_wait3A_434 = arith.constant 0 : i32
        %dma_wait3A_435 = arith.constant 0 : i32
        %dma_wait3A_436 = arith.constant 0 : i32
        %dma_wait3A_437 = tpu.memref_slice %arg9[%dma_wait3A_434, %dma_wait3A_435, %dma_wait3A_436] : memref<2x128x128xf32, #tpu.memory_space<vmem>> -> memref<1x128x128xf32, #tpu.memory_space<vmem>>
        %dma_wait3A_438 = tpu.memref_squeeze %dma_wait3A_437 : memref<1x128x128xf32, #tpu.memory_space<vmem>> -> memref<128x128xf32, #tpu.memory_space<vmem>>
        %dma_wait3A_439 = arith.constant 0 : i32
        %dma_wait3A_440 = tpu.memref_slice %arg8[%dma_wait3A_433, %dma_wait3A_439] : memref<2x128xi32, #tpu.memory_space<vmem>> -> memref<1x128xi32, #tpu.memory_space<vmem>>
        %dma_wait3A_441 = tpu.memref_squeeze %dma_wait3A_440 : memref<1x128xi32, #tpu.memory_space<vmem>> -> memref<128xi32, #tpu.memory_space<vmem>>
        %dma_wait3A_442 = arith.constant 0 : i32
        %dma_wait3A_443 = arith.constant 0 : i32
        %dma_wait3A_444 = tpu.memref_slice %arg3[%dma_wait3A_442, %dma_wait3A_443] : memref<32768x128xf32, #tpu.memory_space<hbm>> -> memref<32768x128xf32, #tpu.memory_space<hbm>>
        tpu.wait_indirect_dma semaphore(%arg10 : memref<!tpu.dma_semaphore, #tpu.memory_space<semaphore_mem>>) src(%dma_wait3A_444 : memref<32768x128xf32, #tpu.memory_space<hbm>>) dst(%dma_wait3A_438 : memref<128x128xf32, #tpu.memory_space<vmem>>)
        %sub3A_445 = arith.constant 2 : i32
        %sub3A_446 = arith.subi %add3A_86, %sub3A_445 : i32
        %mul3A_447 = arith.constant 2 : i32
        %mul3A_448 = arith.muli %sub3A_446, %mul3A_447 : i32
        %add3A_449 = arith.addi %mul3A_32, %mul3A_448 : i32
        %mul3A_450 = arith.constant 1024 : i32
        %mul3A_451 = arith.muli %select_n3A, %mul3A_450 : i32
        %add3A_452 = arith.addi %mul3A_451, %add3A_449 : i32
        %mul3A_453 = arith.constant 64 : i32
        %mul3A_454 = arith.muli %add3A_452, %mul3A_453 : i32
        %dma_start3A_455 = arith.constant 0 : i32
        %dma_start3A_456 = arith.constant 0 : i32
        %dma_start3A_457 = arith.constant 0 : i32
        %dma_start3A_458 = tpu.memref_slice %arg9[%dma_start3A_455, %dma_start3A_456, %dma_start3A_457] : memref<2x128x128xf32, #tpu.memory_space<vmem>> -> memref<1x128x128xf32, #tpu.memory_space<vmem>>
        %dma_start3A_459 = tpu.memref_squeeze %dma_start3A_458 : memref<1x128x128xf32, #tpu.memory_space<vmem>> -> memref<128x128xf32, #tpu.memory_space<vmem>>
        %dma_start3A_460 = arith.constant 0 : i32
        %dma_start3A_461 = tpu.memref_slice %arg4[%mul3A_454, %dma_start3A_460] : memref<524288x128xf32, #tpu.memory_space<hbm>> -> memref<128x128xf32, #tpu.memory_space<hbm>>
        %dma_start3A_462 = arith.constant 0 : i32
        %dma_start3A_463 = tpu.memref_slice %arg4[%mul3A_454, %dma_start3A_462] : memref<524288x128xf32, #tpu.memory_space<hbm>> -> memref<128x128xf32, #tpu.memory_space<hbm>>
        %dma_start3A_464 = arith.constant 0 : i32
        %dma_start3A_465 = arith.constant 0 : i32
        %dma_start3A_466 = tpu.memref_slice %arg9[%dma_start3A_455, %dma_start3A_464, %dma_start3A_465] : memref<2x128x128xf32, #tpu.memory_space<vmem>> -> memref<1x128x128xf32, #tpu.memory_space<vmem>>
        %dma_start3A_467 = tpu.memref_squeeze %dma_start3A_466 : memref<1x128x128xf32, #tpu.memory_space<vmem>> -> memref<128x128xf32, #tpu.memory_space<vmem>>
        tpu.enqueue_dma source(%dma_start3A_467 : memref<128x128xf32, #tpu.memory_space<vmem>>) target(%dma_start3A_463 : memref<128x128xf32, #tpu.memory_space<hbm>>) target_semaphore(%arg12 : memref<!tpu.dma_semaphore, #tpu.memory_space<semaphore_mem>>)
      } else {
      }
      %mul3A_89 = arith.constant 2 : i32
      %mul3A_90 = arith.muli %add3A_86, %mul3A_89 : i32
      %add3A_91 = arith.constant 0 : i32
      %add3A_92 = arith.addi %mul3A_90, %add3A_91 : i32
      %mul3A_93 = arith.constant 256 : i32
      %mul3A_94 = arith.muli %add3A_92, %mul3A_93 : i32
      %while3A = arith.constant 0 : i32
      %while3A_95 = arith.constant 0 : i32
      %while3A_96:2 = scf.while (%while3A_433 = %while3A, %while3A_434 = %while3A_95) : (i32, i32) -> (i32, i32) {
        %lt3A_435 = arith.constant 16 : i32
        %lt3A_436 = arith.cmpi slt, %while3A_433, %lt3A_435 : i32
        %lt3A_437 = arith.constant 64 : i32
        %lt3A_438 = arith.cmpi slt, %while3A_434, %lt3A_437 : i32
        %and3A_439 = arith.andi %lt3A_436, %lt3A_438 : i1
        scf.condition(%and3A_439) %while3A_433, %while3A_434 : i32, i32
      } do {
      ^bb0(%while3A_433: i32, %while3A_434: i32):
        %mul3A_435 = arith.constant 16 : i32
        %mul3A_436 = arith.muli %while3A_433, %mul3A_435 : i32
        %add3A_437 = arith.addi %mul3A_94, %mul3A_436 : i32
        %get3A_438 = arith.index_cast %add3A_437 : i32 to index
        %get3A_439 = tpu.vector_load %arg5[%get3A_438] {strides = array<i32>} : memref<65536xf32, #tpu.memory_space<vmem>>, vector<16xf32>,
        %convert_element_type3A_440 = arith.fptosi %get3A_439 : vector<16xf32> to vector<16xi32>
        %ne3A_441 = arith.constant 0 : i32
        %ne3A_442 = vector.broadcast %ne3A_441 : i32 to vector<16xi32>
        %ne3A_443 = arith.cmpi ne, %convert_element_type3A_440, %ne3A_442 : vector<16xi32>
        %all_reduce_population_count3A = tpu.all_reduce %ne3A_443 {dim = 0 : i64, kind = #tpu.reduction_kind<sum>} : vector<16xi1> -> vector<16xi32>
        %slice3A_444 = vector.extract_strided_slice %all_reduce_population_count3A {offsets = [0], sizes = [1], strides = [1]} : vector<16xi32> to vector<1xi32>
        %squeeze3A_445 = vector.extract %slice3A_444[0] : i32 from vector<1xi32>
        %swap3A_446 = arith.constant 0 : index
        %swap3A_447 = tpu.vector_load %arg7[%swap3A_446] {strides = array<i32>} : memref<32xi32, #tpu.memory_space<vmem>>, vector<16xi32>,
        tpu.vector_store %arg7[%swap3A_446], %convert_element_type3A_440 {strides = array<i32>} : memref<32xi32, #tpu.memory_space<vmem>>, vector<16xi32>,
        %mul3A_448 = arith.constant 256 : i32
        %mul3A_449 = arith.muli %while3A_433, %mul3A_448 : i32
        %while3A_450 = arith.constant 0 : i32
        %while3A_451 = arith.subi %squeeze3A_445, %while3A_450 : i32
        %while3A_452 = arith.addi %while3A_450, %while3A_451 : i32
        %while3A_453 = arith.constant 1 : i32
        %while3A_454 = arith.divsi %while3A_451, %while3A_453 : i32
        %while3A_455 = arith.muli %while3A_454, %while3A_453 : i32
        %while3A_456 = arith.addi %while3A_450, %while3A_455 : i32
        %while3A_457 = arith.constant 1 : i32
        %while3A_458:2 = scf.for %while3A_463 = %while3A_450 to %while3A_456 step %while3A_457 iter_args(%while3A_464 = %ne3A_443, %while3A_465 = %while3A_434) -> (vector<16xi1>, i32)  : i32 {
          %all_reduce_ffs3A = tpu.all_reduce %while3A_464 {dim = 0 : i64, kind = #tpu.reduction_kind<find_first_set>} : vector<16xi1> -> vector<16xi32>
          %slice3A_466 = vector.extract_strided_slice %all_reduce_ffs3A {offsets = [0], sizes = [1], strides = [1]} : vector<16xi32> to vector<1xi32>
          %squeeze3A_467 = vector.extract %slice3A_466[0] : i32 from vector<1xi32>
          %get3A_468 = arith.index_cast %squeeze3A_467 : i32 to index
          %get3A_469 = tpu.vector_load %arg7[%get3A_468] {strides = array<i32>} : memref<32xi32, #tpu.memory_space<vmem>>, vector<16xi32>,
          %slice3A_470 = vector.extract_strided_slice %get3A_469 {offsets = [0], sizes = [1], strides = [1]} : vector<16xi32> to vector<1xi32>
          %squeeze3A_471 = vector.extract %slice3A_470[0] : i32 from vector<1xi32>
          %mul3A_472 = arith.constant 16 : i32
          %mul3A_473 = arith.muli %squeeze3A_467, %mul3A_472 : i32
          %add3A_474 = arith.addi %mul3A_449, %mul3A_473 : i32
          %while3A_475:2 = scf.while (%while3A_479 = %squeeze3A_471, %while3A_480 = %while3A_465) : (i32, i32) -> (i32, i32) {
            %gt3A_481 = arith.constant 0 : i32
            %gt3A_482 = arith.cmpi sgt, %while3A_479, %gt3A_481 : i32
            scf.condition(%gt3A_482) %while3A_479, %while3A_480 : i32, i32
          } do {
          ^bb0(%while3A_479: i32, %while3A_480: i32):
            %neg3A = arith.constant 0 : i32
            %neg3A_481 = arith.subi %neg3A, %while3A_479 : i32
            %and3A_482 = arith.andi %while3A_479, %neg3A_481 : i32
            %convert_element_type3A_483 = arith.sitofp %and3A_482 : i32 to f32
            %bitcast_convert_type3A = arith.bitcast %convert_element_type3A_483 : f32 to i32
            %shift_right_arithmetic3A = arith.constant 23 : i32
            %shift_right_arithmetic3A_484 = arith.shrsi %bitcast_convert_type3A, %shift_right_arithmetic3A : i32
            %sub3A_485 = arith.constant 127 : i32
            %sub3A_486 = arith.subi %shift_right_arithmetic3A_484, %sub3A_485 : i32
            %add3A_487 = arith.addi %add3A_474, %sub3A_486 : i32
            %broadcast_in_dim3A_488 = vector.broadcast %add3A_487 : i32 to vector<16xi32>
            %swap3A_489 = arith.index_cast %while3A_480 : i32 to index
            %swap3A_490 = tpu.vector_load %arg6[%swap3A_489] {strides = array<i32>} : memref<4112xi32, #tpu.memory_space<vmem>>, vector<16xi32>,
            tpu.vector_store %arg6[%swap3A_489], %broadcast_in_dim3A_488 {strides = array<i32>} : memref<4112xi32, #tpu.memory_space<vmem>>, vector<16xi32>,
            %sub3A_491 = arith.constant 1 : i32
            %sub3A_492 = arith.subi %while3A_479, %sub3A_491 : i32
            %and3A_493 = arith.andi %while3A_479, %sub3A_492 : i32
            %add3A_494 = arith.constant 1 : i32
            %add3A_495 = arith.addi %while3A_480, %add3A_494 : i32
            scf.yield %and3A_493, %add3A_495 : i32, i32
          }
          %ne3A_476 = vector.broadcast %squeeze3A_467 : i32 to vector<16xi32>
          %ne3A_477 = arith.cmpi ne, %iota3A, %ne3A_476 : vector<16xi32>
          %and3A_478 = arith.andi %while3A_464, %ne3A_477 : vector<16xi1>
          scf.yield %and3A_478, %while3A_475#1 : vector<16xi1>, i32
        }
        %while3A_459 = arith.constant 1 : i32
        %while3A_460:2 = scf.for %while3A_463 = %while3A_456 to %while3A_452 step %while3A_459 iter_args(%while3A_464 = %while3A_458#0, %while3A_465 = %while3A_458#1) -> (vector<16xi1>, i32)  : i32 {
          %all_reduce_ffs3A = tpu.all_reduce %while3A_464 {dim = 0 : i64, kind = #tpu.reduction_kind<find_first_set>} : vector<16xi1> -> vector<16xi32>
          %slice3A_466 = vector.extract_strided_slice %all_reduce_ffs3A {offsets = [0], sizes = [1], strides = [1]} : vector<16xi32> to vector<1xi32>
          %squeeze3A_467 = vector.extract %slice3A_466[0] : i32 from vector<1xi32>
          %get3A_468 = arith.index_cast %squeeze3A_467 : i32 to index
          %get3A_469 = tpu.vector_load %arg7[%get3A_468] {strides = array<i32>} : memref<32xi32, #tpu.memory_space<vmem>>, vector<16xi32>,
          %slice3A_470 = vector.extract_strided_slice %get3A_469 {offsets = [0], sizes = [1], strides = [1]} : vector<16xi32> to vector<1xi32>
          %squeeze3A_471 = vector.extract %slice3A_470[0] : i32 from vector<1xi32>
          %mul3A_472 = arith.constant 16 : i32
          %mul3A_473 = arith.muli %squeeze3A_467, %mul3A_472 : i32
          %add3A_474 = arith.addi %mul3A_449, %mul3A_473 : i32
          %while3A_475:2 = scf.while (%while3A_479 = %squeeze3A_471, %while3A_480 = %while3A_465) : (i32, i32) -> (i32, i32) {
            %gt3A_481 = arith.constant 0 : i32
            %gt3A_482 = arith.cmpi sgt, %while3A_479, %gt3A_481 : i32
            scf.condition(%gt3A_482) %while3A_479, %while3A_480 : i32, i32
          } do {
          ^bb0(%while3A_479: i32, %while3A_480: i32):
            %neg3A = arith.constant 0 : i32
            %neg3A_481 = arith.subi %neg3A, %while3A_479 : i32
            %and3A_482 = arith.andi %while3A_479, %neg3A_481 : i32
            %convert_element_type3A_483 = arith.sitofp %and3A_482 : i32 to f32
            %bitcast_convert_type3A = arith.bitcast %convert_element_type3A_483 : f32 to i32
            %shift_right_arithmetic3A = arith.constant 23 : i32
            %shift_right_arithmetic3A_484 = arith.shrsi %bitcast_convert_type3A, %shift_right_arithmetic3A : i32
            %sub3A_485 = arith.constant 127 : i32
            %sub3A_486 = arith.subi %shift_right_arithmetic3A_484, %sub3A_485 : i32
            %add3A_487 = arith.addi %add3A_474, %sub3A_486 : i32
            %broadcast_in_dim3A_488 = vector.broadcast %add3A_487 : i32 to vector<16xi32>
            %swap3A_489 = arith.index_cast %while3A_480 : i32 to index
            %swap3A_490 = tpu.vector_load %arg6[%swap3A_489] {strides = array<i32>} : memref<4112xi32, #tpu.memory_space<vmem>>, vector<16xi32>,
            tpu.vector_store %arg6[%swap3A_489], %broadcast_in_dim3A_488 {strides = array<i32>} : memref<4112xi32, #tpu.memory_space<vmem>>, vector<16xi32>,
            %sub3A_491 = arith.constant 1 : i32
            %sub3A_492 = arith.subi %while3A_479, %sub3A_491 : i32
            %and3A_493 = arith.andi %while3A_479, %sub3A_492 : i32
            %add3A_494 = arith.constant 1 : i32
            %add3A_495 = arith.addi %while3A_480, %add3A_494 : i32
            scf.yield %and3A_493, %add3A_495 : i32, i32
          }
          %ne3A_476 = vector.broadcast %squeeze3A_467 : i32 to vector<16xi32>
          %ne3A_477 = arith.cmpi ne, %iota3A, %ne3A_476 : vector<16xi32>
          %and3A_478 = arith.andi %while3A_464, %ne3A_477 : vector<16xi1>
          scf.yield %and3A_478, %while3A_475#1 : vector<16xi1>, i32
        }
        %add3A_461 = arith.constant 1 : i32
        %add3A_462 = arith.addi %while3A_433, %add3A_461 : i32
        scf.yield %add3A_462, %while3A_460#1 : i32, i32
      }
      %get3A = arith.constant 0 : index
      %get3A_97 = tpu.vector_load %arg6[%get3A] {strides = array<i32>} : memref<4112xi32, #tpu.memory_space<vmem>>, vector<16xi32>,
      %slice3A = vector.extract_strided_slice %get3A_97 {offsets = [0], sizes = [1], strides = [1]} : vector<16xi32> to vector<1xi32>
      %squeeze3A = vector.extract %slice3A[0] : i32 from vector<1xi32>
      %get3A_98 = arith.constant 0 : index
      %get3A_99 = tpu.vector_load %arg6[%get3A_98] {strides = array<i32>} : memref<4112xi32, #tpu.memory_space<vmem>>, vector<16xi32>,
      %iota3A_100 = tpu.iota {dimensions = array<i32: 0>} : vector<16xi32>
      %add3A_101 = arith.constant 0 : i32
      %add3A_102 = vector.broadcast %add3A_101 : i32 to vector<16xi32>
      %add3A_103 = arith.addi %iota3A_100, %add3A_102 : vector<16xi32>
      %lt3A_104 = vector.broadcast %while3A_96#1 : i32 to vector<16xi32>
      %lt3A_105 = arith.cmpi slt, %add3A_103, %lt3A_104 : vector<16xi32>
      %broadcast_in_dim3A = vector.broadcast %squeeze3A : i32 to vector<16xi32>
      %select_n3A_106 = arith.select %lt3A_105, %get3A_99, %broadcast_in_dim3A : vector<16xi1>, vector<16xi32>
      %add3A_107 = vector.broadcast %mul3A_38 : i32 to vector<16xi32>
      %add3A_108 = arith.addi %select_n3A_106, %add3A_107 : vector<16xi32>
      %swap3A = arith.constant 0 : i32
      %swap3A_109 = arith.index_cast %swap3A : i32 to index
      %swap3A_110 = arith.constant 0 : index
      %swap3A_111 = tpu.vector_load %arg8[%swap3A_109, %swap3A_110] {strides = array<i32>} : memref<2x128xi32, #tpu.memory_space<vmem>>, vector<16xi32>,
      tpu.vector_store %arg8[%swap3A_109, %swap3A_110], %add3A_108 {strides = array<i32>} : memref<2x128xi32, #tpu.memory_space<vmem>>, vector<16xi32>,
      %get3A_112 = arith.constant 16 : index
      %get3A_113 = tpu.vector_load %arg6[%get3A_112] {strides = array<i32>} : memref<4112xi32, #tpu.memory_space<vmem>>, vector<16xi32>,
      %iota3A_114 = tpu.iota {dimensions = array<i32: 0>} : vector<16xi32>
      %add3A_115 = arith.constant 16 : i32
      %add3A_116 = vector.broadcast %add3A_115 : i32 to vector<16xi32>
      %add3A_117 = arith.addi %iota3A_114, %add3A_116 : vector<16xi32>
      %lt3A_118 = vector.broadcast %while3A_96#1 : i32 to vector<16xi32>
      %lt3A_119 = arith.cmpi slt, %add3A_117, %lt3A_118 : vector<16xi32>
      %broadcast_in_dim3A_120 = vector.broadcast %squeeze3A : i32 to vector<16xi32>
      %select_n3A_121 = arith.select %lt3A_119, %get3A_113, %broadcast_in_dim3A_120 : vector<16xi1>, vector<16xi32>
      %add3A_122 = vector.broadcast %mul3A_38 : i32 to vector<16xi32>
      %add3A_123 = arith.addi %select_n3A_121, %add3A_122 : vector<16xi32>
      %swap3A_124 = arith.constant 0 : i32
      %swap3A_125 = arith.index_cast %swap3A_124 : i32 to index
      %swap3A_126 = arith.constant 16 : index
      %swap3A_127 = tpu.vector_load %arg8[%swap3A_125, %swap3A_126] {strides = array<i32>} : memref<2x128xi32, #tpu.memory_space<vmem>>, vector<16xi32>,
      tpu.vector_store %arg8[%swap3A_125, %swap3A_126], %add3A_123 {strides = array<i32>} : memref<2x128xi32, #tpu.memory_space<vmem>>, vector<16xi32>,
      %get3A_128 = arith.constant 32 : index
      %get3A_129 = tpu.vector_load %arg6[%get3A_128] {strides = array<i32>} : memref<4112xi32, #tpu.memory_space<vmem>>, vector<16xi32>,
      %iota3A_130 = tpu.iota {dimensions = array<i32: 0>} : vector<16xi32>
      %add3A_131 = arith.constant 32 : i32
      %add3A_132 = vector.broadcast %add3A_131 : i32 to vector<16xi32>
      %add3A_133 = arith.addi %iota3A_130, %add3A_132 : vector<16xi32>
      %lt3A_134 = vector.broadcast %while3A_96#1 : i32 to vector<16xi32>
      %lt3A_135 = arith.cmpi slt, %add3A_133, %lt3A_134 : vector<16xi32>
      %broadcast_in_dim3A_136 = vector.broadcast %squeeze3A : i32 to vector<16xi32>
      %select_n3A_137 = arith.select %lt3A_135, %get3A_129, %broadcast_in_dim3A_136 : vector<16xi1>, vector<16xi32>
      %add3A_138 = vector.broadcast %mul3A_38 : i32 to vector<16xi32>
      %add3A_139 = arith.addi %select_n3A_137, %add3A_138 : vector<16xi32>
      %swap3A_140 = arith.constant 0 : i32
      %swap3A_141 = arith.index_cast %swap3A_140 : i32 to index
      %swap3A_142 = arith.constant 32 : index
      %swap3A_143 = tpu.vector_load %arg8[%swap3A_141, %swap3A_142] {strides = array<i32>} : memref<2x128xi32, #tpu.memory_space<vmem>>, vector<16xi32>,
      tpu.vector_store %arg8[%swap3A_141, %swap3A_142], %add3A_139 {strides = array<i32>} : memref<2x128xi32, #tpu.memory_space<vmem>>, vector<16xi32>,
      %get3A_144 = arith.constant 48 : index
      %get3A_145 = tpu.vector_load %arg6[%get3A_144] {strides = array<i32>} : memref<4112xi32, #tpu.memory_space<vmem>>, vector<16xi32>,
      %iota3A_146 = tpu.iota {dimensions = array<i32: 0>} : vector<16xi32>
      %add3A_147 = arith.constant 48 : i32
      %add3A_148 = vector.broadcast %add3A_147 : i32 to vector<16xi32>
      %add3A_149 = arith.addi %iota3A_146, %add3A_148 : vector<16xi32>
      %lt3A_150 = vector.broadcast %while3A_96#1 : i32 to vector<16xi32>
      %lt3A_151 = arith.cmpi slt, %add3A_149, %lt3A_150 : vector<16xi32>
      %broadcast_in_dim3A_152 = vector.broadcast %squeeze3A : i32 to vector<16xi32>
      %select_n3A_153 = arith.select %lt3A_151, %get3A_145, %broadcast_in_dim3A_152 : vector<16xi1>, vector<16xi32>
      %add3A_154 = vector.broadcast %mul3A_38 : i32 to vector<16xi32>
      %add3A_155 = arith.addi %select_n3A_153, %add3A_154 : vector<16xi32>
      %swap3A_156 = arith.constant 0 : i32
      %swap3A_157 = arith.index_cast %swap3A_156 : i32 to index
      %swap3A_158 = arith.constant 48 : index
      %swap3A_159 = tpu.vector_load %arg8[%swap3A_157, %swap3A_158] {strides = array<i32>} : memref<2x128xi32, #tpu.memory_space<vmem>>, vector<16xi32>,
      tpu.vector_store %arg8[%swap3A_157, %swap3A_158], %add3A_155 {strides = array<i32>} : memref<2x128xi32, #tpu.memory_space<vmem>>, vector<16xi32>,
      %mul3A_160 = arith.constant 2 : i32
      %mul3A_161 = arith.muli %add3A_86, %mul3A_160 : i32
      %add3A_162 = arith.constant 1 : i32
      %add3A_163 = arith.addi %mul3A_161, %add3A_162 : i32
      %mul3A_164 = arith.constant 256 : i32
      %mul3A_165 = arith.muli %add3A_163, %mul3A_164 : i32
      %while3A_166 = arith.constant 0 : i32
      %while3A_167 = arith.constant 0 : i32
      %while3A_168:2 = scf.while (%while3A_433 = %while3A_166, %while3A_434 = %while3A_167) : (i32, i32) -> (i32, i32) {
        %lt3A_435 = arith.constant 16 : i32
        %lt3A_436 = arith.cmpi slt, %while3A_433, %lt3A_435 : i32
        %lt3A_437 = arith.constant 64 : i32
        %lt3A_438 = arith.cmpi slt, %while3A_434, %lt3A_437 : i32
        %and3A_439 = arith.andi %lt3A_436, %lt3A_438 : i1
        scf.condition(%and3A_439) %while3A_433, %while3A_434 : i32, i32
      } do {
      ^bb0(%while3A_433: i32, %while3A_434: i32):
        %mul3A_435 = arith.constant 16 : i32
        %mul3A_436 = arith.muli %while3A_433, %mul3A_435 : i32
        %add3A_437 = arith.addi %mul3A_165, %mul3A_436 : i32
        %get3A_438 = arith.index_cast %add3A_437 : i32 to index
        %get3A_439 = tpu.vector_load %arg5[%get3A_438] {strides = array<i32>} : memref<65536xf32, #tpu.memory_space<vmem>>, vector<16xf32>,
        %convert_element_type3A_440 = arith.fptosi %get3A_439 : vector<16xf32> to vector<16xi32>
        %ne3A_441 = arith.constant 0 : i32
        %ne3A_442 = vector.broadcast %ne3A_441 : i32 to vector<16xi32>
        %ne3A_443 = arith.cmpi ne, %convert_element_type3A_440, %ne3A_442 : vector<16xi32>
        %all_reduce_population_count3A = tpu.all_reduce %ne3A_443 {dim = 0 : i64, kind = #tpu.reduction_kind<sum>} : vector<16xi1> -> vector<16xi32>
        %slice3A_444 = vector.extract_strided_slice %all_reduce_population_count3A {offsets = [0], sizes = [1], strides = [1]} : vector<16xi32> to vector<1xi32>
        %squeeze3A_445 = vector.extract %slice3A_444[0] : i32 from vector<1xi32>
        %swap3A_446 = arith.constant 0 : index
        %swap3A_447 = tpu.vector_load %arg7[%swap3A_446] {strides = array<i32>} : memref<32xi32, #tpu.memory_space<vmem>>, vector<16xi32>,
        tpu.vector_store %arg7[%swap3A_446], %convert_element_type3A_440 {strides = array<i32>} : memref<32xi32, #tpu.memory_space<vmem>>, vector<16xi32>,
        %mul3A_448 = arith.constant 256 : i32
        %mul3A_449 = arith.muli %while3A_433, %mul3A_448 : i32
        %while3A_450 = arith.constant 0 : i32
        %while3A_451 = arith.subi %squeeze3A_445, %while3A_450 : i32
        %while3A_452 = arith.addi %while3A_450, %while3A_451 : i32
        %while3A_453 = arith.constant 1 : i32
        %while3A_454 = arith.divsi %while3A_451, %while3A_453 : i32
        %while3A_455 = arith.muli %while3A_454, %while3A_453 : i32
        %while3A_456 = arith.addi %while3A_450, %while3A_455 : i32
        %while3A_457 = arith.constant 1 : i32
        %while3A_458:2 = scf.for %while3A_463 = %while3A_450 to %while3A_456 step %while3A_457 iter_args(%while3A_464 = %ne3A_443, %while3A_465 = %while3A_434) -> (vector<16xi1>, i32)  : i32 {
          %all_reduce_ffs3A = tpu.all_reduce %while3A_464 {dim = 0 : i64, kind = #tpu.reduction_kind<find_first_set>} : vector<16xi1> -> vector<16xi32>
          %slice3A_466 = vector.extract_strided_slice %all_reduce_ffs3A {offsets = [0], sizes = [1], strides = [1]} : vector<16xi32> to vector<1xi32>
          %squeeze3A_467 = vector.extract %slice3A_466[0] : i32 from vector<1xi32>
          %get3A_468 = arith.index_cast %squeeze3A_467 : i32 to index
          %get3A_469 = tpu.vector_load %arg7[%get3A_468] {strides = array<i32>} : memref<32xi32, #tpu.memory_space<vmem>>, vector<16xi32>,
          %slice3A_470 = vector.extract_strided_slice %get3A_469 {offsets = [0], sizes = [1], strides = [1]} : vector<16xi32> to vector<1xi32>
          %squeeze3A_471 = vector.extract %slice3A_470[0] : i32 from vector<1xi32>
          %mul3A_472 = arith.constant 16 : i32
          %mul3A_473 = arith.muli %squeeze3A_467, %mul3A_472 : i32
          %add3A_474 = arith.addi %mul3A_449, %mul3A_473 : i32
          %while3A_475:2 = scf.while (%while3A_479 = %squeeze3A_471, %while3A_480 = %while3A_465) : (i32, i32) -> (i32, i32) {
            %gt3A_481 = arith.constant 0 : i32
            %gt3A_482 = arith.cmpi sgt, %while3A_479, %gt3A_481 : i32
            scf.condition(%gt3A_482) %while3A_479, %while3A_480 : i32, i32
          } do {
          ^bb0(%while3A_479: i32, %while3A_480: i32):
            %neg3A = arith.constant 0 : i32
            %neg3A_481 = arith.subi %neg3A, %while3A_479 : i32
            %and3A_482 = arith.andi %while3A_479, %neg3A_481 : i32
            %convert_element_type3A_483 = arith.sitofp %and3A_482 : i32 to f32
            %bitcast_convert_type3A = arith.bitcast %convert_element_type3A_483 : f32 to i32
            %shift_right_arithmetic3A = arith.constant 23 : i32
            %shift_right_arithmetic3A_484 = arith.shrsi %bitcast_convert_type3A, %shift_right_arithmetic3A : i32
            %sub3A_485 = arith.constant 127 : i32
            %sub3A_486 = arith.subi %shift_right_arithmetic3A_484, %sub3A_485 : i32
            %add3A_487 = arith.addi %add3A_474, %sub3A_486 : i32
            %broadcast_in_dim3A_488 = vector.broadcast %add3A_487 : i32 to vector<16xi32>
            %swap3A_489 = arith.index_cast %while3A_480 : i32 to index
            %swap3A_490 = tpu.vector_load %arg6[%swap3A_489] {strides = array<i32>} : memref<4112xi32, #tpu.memory_space<vmem>>, vector<16xi32>,
            tpu.vector_store %arg6[%swap3A_489], %broadcast_in_dim3A_488 {strides = array<i32>} : memref<4112xi32, #tpu.memory_space<vmem>>, vector<16xi32>,
            %sub3A_491 = arith.constant 1 : i32
            %sub3A_492 = arith.subi %while3A_479, %sub3A_491 : i32
            %and3A_493 = arith.andi %while3A_479, %sub3A_492 : i32
            %add3A_494 = arith.constant 1 : i32
            %add3A_495 = arith.addi %while3A_480, %add3A_494 : i32
            scf.yield %and3A_493, %add3A_495 : i32, i32
          }
          %ne3A_476 = vector.broadcast %squeeze3A_467 : i32 to vector<16xi32>
          %ne3A_477 = arith.cmpi ne, %iota3A, %ne3A_476 : vector<16xi32>
          %and3A_478 = arith.andi %while3A_464, %ne3A_477 : vector<16xi1>
          scf.yield %and3A_478, %while3A_475#1 : vector<16xi1>, i32
        }
        %while3A_459 = arith.constant 1 : i32
        %while3A_460:2 = scf.for %while3A_463 = %while3A_456 to %while3A_452 step %while3A_459 iter_args(%while3A_464 = %while3A_458#0, %while3A_465 = %while3A_458#1) -> (vector<16xi1>, i32)  : i32 {
          %all_reduce_ffs3A = tpu.all_reduce %while3A_464 {dim = 0 : i64, kind = #tpu.reduction_kind<find_first_set>} : vector<16xi1> -> vector<16xi32>
          %slice3A_466 = vector.extract_strided_slice %all_reduce_ffs3A {offsets = [0], sizes = [1], strides = [1]} : vector<16xi32> to vector<1xi32>
          %squeeze3A_467 = vector.extract %slice3A_466[0] : i32 from vector<1xi32>
          %get3A_468 = arith.index_cast %squeeze3A_467 : i32 to index
          %get3A_469 = tpu.vector_load %arg7[%get3A_468] {strides = array<i32>} : memref<32xi32, #tpu.memory_space<vmem>>, vector<16xi32>,
          %slice3A_470 = vector.extract_strided_slice %get3A_469 {offsets = [0], sizes = [1], strides = [1]} : vector<16xi32> to vector<1xi32>
          %squeeze3A_471 = vector.extract %slice3A_470[0] : i32 from vector<1xi32>
          %mul3A_472 = arith.constant 16 : i32
          %mul3A_473 = arith.muli %squeeze3A_467, %mul3A_472 : i32
          %add3A_474 = arith.addi %mul3A_449, %mul3A_473 : i32
          %while3A_475:2 = scf.while (%while3A_479 = %squeeze3A_471, %while3A_480 = %while3A_465) : (i32, i32) -> (i32, i32) {
            %gt3A_481 = arith.constant 0 : i32
            %gt3A_482 = arith.cmpi sgt, %while3A_479, %gt3A_481 : i32
            scf.condition(%gt3A_482) %while3A_479, %while3A_480 : i32, i32
          } do {
          ^bb0(%while3A_479: i32, %while3A_480: i32):
            %neg3A = arith.constant 0 : i32
            %neg3A_481 = arith.subi %neg3A, %while3A_479 : i32
            %and3A_482 = arith.andi %while3A_479, %neg3A_481 : i32
            %convert_element_type3A_483 = arith.sitofp %and3A_482 : i32 to f32
            %bitcast_convert_type3A = arith.bitcast %convert_element_type3A_483 : f32 to i32
            %shift_right_arithmetic3A = arith.constant 23 : i32
            %shift_right_arithmetic3A_484 = arith.shrsi %bitcast_convert_type3A, %shift_right_arithmetic3A : i32
            %sub3A_485 = arith.constant 127 : i32
            %sub3A_486 = arith.subi %shift_right_arithmetic3A_484, %sub3A_485 : i32
            %add3A_487 = arith.addi %add3A_474, %sub3A_486 : i32
            %broadcast_in_dim3A_488 = vector.broadcast %add3A_487 : i32 to vector<16xi32>
            %swap3A_489 = arith.index_cast %while3A_480 : i32 to index
            %swap3A_490 = tpu.vector_load %arg6[%swap3A_489] {strides = array<i32>} : memref<4112xi32, #tpu.memory_space<vmem>>, vector<16xi32>,
            tpu.vector_store %arg6[%swap3A_489], %broadcast_in_dim3A_488 {strides = array<i32>} : memref<4112xi32, #tpu.memory_space<vmem>>, vector<16xi32>,
            %sub3A_491 = arith.constant 1 : i32
            %sub3A_492 = arith.subi %while3A_479, %sub3A_491 : i32
            %and3A_493 = arith.andi %while3A_479, %sub3A_492 : i32
            %add3A_494 = arith.constant 1 : i32
            %add3A_495 = arith.addi %while3A_480, %add3A_494 : i32
            scf.yield %and3A_493, %add3A_495 : i32, i32
          }
          %ne3A_476 = vector.broadcast %squeeze3A_467 : i32 to vector<16xi32>
          %ne3A_477 = arith.cmpi ne, %iota3A, %ne3A_476 : vector<16xi32>
          %and3A_478 = arith.andi %while3A_464, %ne3A_477 : vector<16xi1>
          scf.yield %and3A_478, %while3A_475#1 : vector<16xi1>, i32
        }
        %add3A_461 = arith.constant 1 : i32
        %add3A_462 = arith.addi %while3A_433, %add3A_461 : i32
        scf.yield %add3A_462, %while3A_460#1 : i32, i32
      }
      %get3A_169 = arith.constant 0 : index
      %get3A_170 = tpu.vector_load %arg6[%get3A_169] {strides = array<i32>} : memref<4112xi32, #tpu.memory_space<vmem>>, vector<16xi32>,
      %slice3A_171 = vector.extract_strided_slice %get3A_170 {offsets = [0], sizes = [1], strides = [1]} : vector<16xi32> to vector<1xi32>
      %squeeze3A_172 = vector.extract %slice3A_171[0] : i32 from vector<1xi32>
      %get3A_173 = arith.constant 0 : index
      %get3A_174 = tpu.vector_load %arg6[%get3A_173] {strides = array<i32>} : memref<4112xi32, #tpu.memory_space<vmem>>, vector<16xi32>,
      %iota3A_175 = tpu.iota {dimensions = array<i32: 0>} : vector<16xi32>
      %add3A_176 = arith.constant 0 : i32
      %add3A_177 = vector.broadcast %add3A_176 : i32 to vector<16xi32>
      %add3A_178 = arith.addi %iota3A_175, %add3A_177 : vector<16xi32>
      %lt3A_179 = vector.broadcast %while3A_168#1 : i32 to vector<16xi32>
      %lt3A_180 = arith.cmpi slt, %add3A_178, %lt3A_179 : vector<16xi32>
      %broadcast_in_dim3A_181 = vector.broadcast %squeeze3A_172 : i32 to vector<16xi32>
      %select_n3A_182 = arith.select %lt3A_180, %get3A_174, %broadcast_in_dim3A_181 : vector<16xi1>, vector<16xi32>
      %add3A_183 = vector.broadcast %mul3A_38 : i32 to vector<16xi32>
      %add3A_184 = arith.addi %select_n3A_182, %add3A_183 : vector<16xi32>
      %swap3A_185 = arith.constant 0 : i32
      %swap3A_186 = arith.index_cast %swap3A_185 : i32 to index
      %swap3A_187 = arith.constant 64 : index
      %swap3A_188 = tpu.vector_load %arg8[%swap3A_186, %swap3A_187] {strides = array<i32>} : memref<2x128xi32, #tpu.memory_space<vmem>>, vector<16xi32>,
      tpu.vector_store %arg8[%swap3A_186, %swap3A_187], %add3A_184 {strides = array<i32>} : memref<2x128xi32, #tpu.memory_space<vmem>>, vector<16xi32>,
      %get3A_189 = arith.constant 16 : index
      %get3A_190 = tpu.vector_load %arg6[%get3A_189] {strides = array<i32>} : memref<4112xi32, #tpu.memory_space<vmem>>, vector<16xi32>,
      %iota3A_191 = tpu.iota {dimensions = array<i32: 0>} : vector<16xi32>
      %add3A_192 = arith.constant 16 : i32
      %add3A_193 = vector.broadcast %add3A_192 : i32 to vector<16xi32>
      %add3A_194 = arith.addi %iota3A_191, %add3A_193 : vector<16xi32>
      %lt3A_195 = vector.broadcast %while3A_168#1 : i32 to vector<16xi32>
      %lt3A_196 = arith.cmpi slt, %add3A_194, %lt3A_195 : vector<16xi32>
      %broadcast_in_dim3A_197 = vector.broadcast %squeeze3A_172 : i32 to vector<16xi32>
      %select_n3A_198 = arith.select %lt3A_196, %get3A_190, %broadcast_in_dim3A_197 : vector<16xi1>, vector<16xi32>
      %add3A_199 = vector.broadcast %mul3A_38 : i32 to vector<16xi32>
      %add3A_200 = arith.addi %select_n3A_198, %add3A_199 : vector<16xi32>
      %swap3A_201 = arith.constant 0 : i32
      %swap3A_202 = arith.index_cast %swap3A_201 : i32 to index
      %swap3A_203 = arith.constant 80 : index
      %swap3A_204 = tpu.vector_load %arg8[%swap3A_202, %swap3A_203] {strides = array<i32>} : memref<2x128xi32, #tpu.memory_space<vmem>>, vector<16xi32>,
      tpu.vector_store %arg8[%swap3A_202, %swap3A_203], %add3A_200 {strides = array<i32>} : memref<2x128xi32, #tpu.memory_space<vmem>>, vector<16xi32>,
      %get3A_205 = arith.constant 32 : index
      %get3A_206 = tpu.vector_load %arg6[%get3A_205] {strides = array<i32>} : memref<4112xi32, #tpu.memory_space<vmem>>, vector<16xi32>,
      %iota3A_207 = tpu.iota {dimensions = array<i32: 0>} : vector<16xi32>
      %add3A_208 = arith.constant 32 : i32
      %add3A_209 = vector.broadcast %add3A_208 : i32 to vector<16xi32>
      %add3A_210 = arith.addi %iota3A_207, %add3A_209 : vector<16xi32>
      %lt3A_211 = vector.broadcast %while3A_168#1 : i32 to vector<16xi32>
      %lt3A_212 = arith.cmpi slt, %add3A_210, %lt3A_211 : vector<16xi32>
      %broadcast_in_dim3A_213 = vector.broadcast %squeeze3A_172 : i32 to vector<16xi32>
      %select_n3A_214 = arith.select %lt3A_212, %get3A_206, %broadcast_in_dim3A_213 : vector<16xi1>, vector<16xi32>
      %add3A_215 = vector.broadcast %mul3A_38 : i32 to vector<16xi32>
      %add3A_216 = arith.addi %select_n3A_214, %add3A_215 : vector<16xi32>
      %swap3A_217 = arith.constant 0 : i32
      %swap3A_218 = arith.index_cast %swap3A_217 : i32 to index
      %swap3A_219 = arith.constant 96 : index
      %swap3A_220 = tpu.vector_load %arg8[%swap3A_218, %swap3A_219] {strides = array<i32>} : memref<2x128xi32, #tpu.memory_space<vmem>>, vector<16xi32>,
      tpu.vector_store %arg8[%swap3A_218, %swap3A_219], %add3A_216 {strides = array<i32>} : memref<2x128xi32, #tpu.memory_space<vmem>>, vector<16xi32>,
      %get3A_221 = arith.constant 48 : index
      %get3A_222 = tpu.vector_load %arg6[%get3A_221] {strides = array<i32>} : memref<4112xi32, #tpu.memory_space<vmem>>, vector<16xi32>,
      %iota3A_223 = tpu.iota {dimensions = array<i32: 0>} : vector<16xi32>
      %add3A_224 = arith.constant 48 : i32
      %add3A_225 = vector.broadcast %add3A_224 : i32 to vector<16xi32>
      %add3A_226 = arith.addi %iota3A_223, %add3A_225 : vector<16xi32>
      %lt3A_227 = vector.broadcast %while3A_168#1 : i32 to vector<16xi32>
      %lt3A_228 = arith.cmpi slt, %add3A_226, %lt3A_227 : vector<16xi32>
      %broadcast_in_dim3A_229 = vector.broadcast %squeeze3A_172 : i32 to vector<16xi32>
      %select_n3A_230 = arith.select %lt3A_228, %get3A_222, %broadcast_in_dim3A_229 : vector<16xi1>, vector<16xi32>
      %add3A_231 = vector.broadcast %mul3A_38 : i32 to vector<16xi32>
      %add3A_232 = arith.addi %select_n3A_230, %add3A_231 : vector<16xi32>
      %swap3A_233 = arith.constant 0 : i32
      %swap3A_234 = arith.index_cast %swap3A_233 : i32 to index
      %swap3A_235 = arith.constant 112 : index
      %swap3A_236 = tpu.vector_load %arg8[%swap3A_234, %swap3A_235] {strides = array<i32>} : memref<2x128xi32, #tpu.memory_space<vmem>>, vector<16xi32>,
      tpu.vector_store %arg8[%swap3A_234, %swap3A_235], %add3A_232 {strides = array<i32>} : memref<2x128xi32, #tpu.memory_space<vmem>>, vector<16xi32>,
      %gt3A_237 = arith.constant 0 : i32
      %gt3A_238 = arith.cmpi sgt, %scan3A_82, %gt3A_237 : i32
      %convert_element_type3A_239 = arith.extui %gt3A_238 : i1 to i32
      %cond3A_240 = arith.constant 0 : i32
      %cond3A_241 = arith.cmpi ne, %convert_element_type3A_239, %cond3A_240 : i32
      scf.if %cond3A_241 {
        %dma_wait3A_433 = arith.constant 0 : i32
        %dma_wait3A_434 = arith.constant 0 : i32
        %dma_wait3A_435 = arith.constant 0 : i32
        %dma_wait3A_436 = tpu.memref_slice %arg9[%dma_wait3A_433, %dma_wait3A_434, %dma_wait3A_435] : memref<2x128x128xf32, #tpu.memory_space<vmem>> -> memref<1x128x128xf32, #tpu.memory_space<vmem>>
        %dma_wait3A_437 = tpu.memref_squeeze %dma_wait3A_436 : memref<1x128x128xf32, #tpu.memory_space<vmem>> -> memref<128x128xf32, #tpu.memory_space<vmem>>
        %dma_wait3A_438 = arith.constant 0 : i32
        %dma_wait3A_439 = arith.constant 0 : i32
        %dma_wait3A_440 = tpu.memref_slice %arg4[%dma_wait3A_438, %dma_wait3A_439] : memref<524288x128xf32, #tpu.memory_space<hbm>> -> memref<128x128xf32, #tpu.memory_space<hbm>>
        %dma_wait3A_441 = arith.constant 0 : i32
        %dma_wait3A_442 = arith.constant 0 : i32
        %dma_wait3A_443 = tpu.memref_slice %arg4[%dma_wait3A_441, %dma_wait3A_442] : memref<524288x128xf32, #tpu.memory_space<hbm>> -> memref<128x128xf32, #tpu.memory_space<hbm>>
        %dma_wait3A_444 = arith.constant 0 : i32
        %dma_wait3A_445 = arith.constant 0 : i32
        %dma_wait3A_446 = tpu.memref_slice %arg9[%dma_wait3A_433, %dma_wait3A_444, %dma_wait3A_445] : memref<2x128x128xf32, #tpu.memory_space<vmem>> -> memref<1x128x128xf32, #tpu.memory_space<vmem>>
        %dma_wait3A_447 = tpu.memref_squeeze %dma_wait3A_446 : memref<1x128x128xf32, #tpu.memory_space<vmem>> -> memref<128x128xf32, #tpu.memory_space<vmem>>
        tpu.wait_dma2 semaphore(%arg12 : memref<!tpu.dma_semaphore, #tpu.memory_space<semaphore_mem>>) src(%dma_wait3A_447 : memref<128x128xf32, #tpu.memory_space<vmem>>) dst(%dma_wait3A_443 : memref<128x128xf32, #tpu.memory_space<hbm>>)
      } else {
      }
      %dma_start3A = arith.constant 0 : i32
      %dma_start3A_242 = arith.constant 0 : i32
      %dma_start3A_243 = arith.constant 0 : i32
      %dma_start3A_244 = arith.constant 0 : i32
      %dma_start3A_245 = tpu.memref_slice %arg9[%dma_start3A_242, %dma_start3A_243, %dma_start3A_244] : memref<2x128x128xf32, #tpu.memory_space<vmem>> -> memref<1x128x128xf32, #tpu.memory_space<vmem>>
      %dma_start3A_246 = tpu.memref_squeeze %dma_start3A_245 : memref<1x128x128xf32, #tpu.memory_space<vmem>> -> memref<128x128xf32, #tpu.memory_space<vmem>>
      %dma_start3A_247 = arith.constant 0 : i32
      %dma_start3A_248 = tpu.memref_slice %arg8[%dma_start3A, %dma_start3A_247] : memref<2x128xi32, #tpu.memory_space<vmem>> -> memref<1x128xi32, #tpu.memory_space<vmem>>
      %dma_start3A_249 = tpu.memref_squeeze %dma_start3A_248 : memref<1x128xi32, #tpu.memory_space<vmem>> -> memref<128xi32, #tpu.memory_space<vmem>>
      %dma_start3A_250 = arith.constant 0 : i32
      %dma_start3A_251 = arith.constant 0 : i32
      %dma_start3A_252 = tpu.memref_slice %arg3[%dma_start3A_250, %dma_start3A_251] : memref<32768x128xf32, #tpu.memory_space<hbm>> -> memref<32768x128xf32, #tpu.memory_space<hbm>>
      tpu.enqueue_indirect_dma source(%dma_start3A_252 : memref<32768x128xf32, #tpu.memory_space<hbm>>) target(%dma_start3A_246 : memref<128x128xf32, #tpu.memory_space<vmem>>) offsets(%dma_start3A_249 : memref<128xi32, #tpu.memory_space<vmem>>) semaphore(%arg10 : memref<!tpu.dma_semaphore, #tpu.memory_space<semaphore_mem>>)
      %mul3A_253 = arith.constant 2 : i32
      %mul3A_254 = arith.muli %scan3A_82, %mul3A_253 : i32
      %add3A_255 = arith.constant 1 : i32
      %add3A_256 = arith.addi %mul3A_254, %add3A_255 : i32
      %gt3A_257 = arith.constant 0 : i32
      %gt3A_258 = arith.cmpi sgt, %scan3A_82, %gt3A_257 : i32
      %convert_element_type3A_259 = arith.extui %gt3A_258 : i1 to i32
      %cond3A_260 = arith.constant 0 : i32
      %cond3A_261 = arith.cmpi ne, %convert_element_type3A_259, %cond3A_260 : i32
      scf.if %cond3A_261 {
        %dma_wait3A_433 = arith.constant 1 : i32
        %dma_wait3A_434 = arith.constant 1 : i32
        %dma_wait3A_435 = arith.constant 0 : i32
        %dma_wait3A_436 = arith.constant 0 : i32
        %dma_wait3A_437 = tpu.memref_slice %arg9[%dma_wait3A_434, %dma_wait3A_435, %dma_wait3A_436] : memref<2x128x128xf32, #tpu.memory_space<vmem>> -> memref<1x128x128xf32, #tpu.memory_space<vmem>>
        %dma_wait3A_438 = tpu.memref_squeeze %dma_wait3A_437 : memref<1x128x128xf32, #tpu.memory_space<vmem>> -> memref<128x128xf32, #tpu.memory_space<vmem>>
        %dma_wait3A_439 = arith.constant 0 : i32
        %dma_wait3A_440 = tpu.memref_slice %arg8[%dma_wait3A_433, %dma_wait3A_439] : memref<2x128xi32, #tpu.memory_space<vmem>> -> memref<1x128xi32, #tpu.memory_space<vmem>>
        %dma_wait3A_441 = tpu.memref_squeeze %dma_wait3A_440 : memref<1x128xi32, #tpu.memory_space<vmem>> -> memref<128xi32, #tpu.memory_space<vmem>>
        %dma_wait3A_442 = arith.constant 0 : i32
        %dma_wait3A_443 = arith.constant 0 : i32
        %dma_wait3A_444 = tpu.memref_slice %arg3[%dma_wait3A_442, %dma_wait3A_443] : memref<32768x128xf32, #tpu.memory_space<hbm>> -> memref<32768x128xf32, #tpu.memory_space<hbm>>
        tpu.wait_indirect_dma semaphore(%arg11 : memref<!tpu.dma_semaphore, #tpu.memory_space<semaphore_mem>>) src(%dma_wait3A_444 : memref<32768x128xf32, #tpu.memory_space<hbm>>) dst(%dma_wait3A_438 : memref<128x128xf32, #tpu.memory_space<vmem>>)
        %sub3A_445 = arith.constant 2 : i32
        %sub3A_446 = arith.subi %add3A_256, %sub3A_445 : i32
        %mul3A_447 = arith.constant 2 : i32
        %mul3A_448 = arith.muli %sub3A_446, %mul3A_447 : i32
        %add3A_449 = arith.addi %mul3A_32, %mul3A_448 : i32
        %mul3A_450 = arith.constant 1024 : i32
        %mul3A_451 = arith.muli %select_n3A, %mul3A_450 : i32
        %add3A_452 = arith.addi %mul3A_451, %add3A_449 : i32
        %mul3A_453 = arith.constant 64 : i32
        %mul3A_454 = arith.muli %add3A_452, %mul3A_453 : i32
        %dma_start3A_455 = arith.constant 1 : i32
        %dma_start3A_456 = arith.constant 0 : i32
        %dma_start3A_457 = arith.constant 0 : i32
        %dma_start3A_458 = tpu.memref_slice %arg9[%dma_start3A_455, %dma_start3A_456, %dma_start3A_457] : memref<2x128x128xf32, #tpu.memory_space<vmem>> -> memref<1x128x128xf32, #tpu.memory_space<vmem>>
        %dma_start3A_459 = tpu.memref_squeeze %dma_start3A_458 : memref<1x128x128xf32, #tpu.memory_space<vmem>> -> memref<128x128xf32, #tpu.memory_space<vmem>>
        %dma_start3A_460 = arith.constant 0 : i32
        %dma_start3A_461 = tpu.memref_slice %arg4[%mul3A_454, %dma_start3A_460] : memref<524288x128xf32, #tpu.memory_space<hbm>> -> memref<128x128xf32, #tpu.memory_space<hbm>>
        %dma_start3A_462 = arith.constant 0 : i32
        %dma_start3A_463 = tpu.memref_slice %arg4[%mul3A_454, %dma_start3A_462] : memref<524288x128xf32, #tpu.memory_space<hbm>> -> memref<128x128xf32, #tpu.memory_space<hbm>>
        %dma_start3A_464 = arith.constant 0 : i32
        %dma_start3A_465 = arith.constant 0 : i32
        %dma_start3A_466 = tpu.memref_slice %arg9[%dma_start3A_455, %dma_start3A_464, %dma_start3A_465] : memref<2x128x128xf32, #tpu.memory_space<vmem>> -> memref<1x128x128xf32, #tpu.memory_space<vmem>>
        %dma_start3A_467 = tpu.memref_squeeze %dma_start3A_466 : memref<1x128x128xf32, #tpu.memory_space<vmem>> -> memref<128x128xf32, #tpu.memory_space<vmem>>
        tpu.enqueue_dma source(%dma_start3A_467 : memref<128x128xf32, #tpu.memory_space<vmem>>) target(%dma_start3A_463 : memref<128x128xf32, #tpu.memory_space<hbm>>) target_semaphore(%arg13 : memref<!tpu.dma_semaphore, #tpu.memory_space<semaphore_mem>>)
      } else {
      }
      %mul3A_262 = arith.constant 2 : i32
      %mul3A_263 = arith.muli %add3A_256, %mul3A_262 : i32
      %add3A_264 = arith.constant 0 : i32
      %add3A_265 = arith.addi %mul3A_263, %add3A_264 : i32
      %mul3A_266 = arith.constant 256 : i32
      %mul3A_267 = arith.muli %add3A_265, %mul3A_266 : i32
      %while3A_268 = arith.constant 0 : i32
      %while3A_269 = arith.constant 0 : i32
      %while3A_270:2 = scf.while (%while3A_433 = %while3A_268, %while3A_434 = %while3A_269) : (i32, i32) -> (i32, i32) {
        %lt3A_435 = arith.constant 16 : i32
        %lt3A_436 = arith.cmpi slt, %while3A_433, %lt3A_435 : i32
        %lt3A_437 = arith.constant 64 : i32
        %lt3A_438 = arith.cmpi slt, %while3A_434, %lt3A_437 : i32
        %and3A_439 = arith.andi %lt3A_436, %lt3A_438 : i1
        scf.condition(%and3A_439) %while3A_433, %while3A_434 : i32, i32
      } do {
      ^bb0(%while3A_433: i32, %while3A_434: i32):
        %mul3A_435 = arith.constant 16 : i32
        %mul3A_436 = arith.muli %while3A_433, %mul3A_435 : i32
        %add3A_437 = arith.addi %mul3A_267, %mul3A_436 : i32
        %get3A_438 = arith.index_cast %add3A_437 : i32 to index
        %get3A_439 = tpu.vector_load %arg5[%get3A_438] {strides = array<i32>} : memref<65536xf32, #tpu.memory_space<vmem>>, vector<16xf32>,
        %convert_element_type3A_440 = arith.fptosi %get3A_439 : vector<16xf32> to vector<16xi32>
        %ne3A_441 = arith.constant 0 : i32
        %ne3A_442 = vector.broadcast %ne3A_441 : i32 to vector<16xi32>
        %ne3A_443 = arith.cmpi ne, %convert_element_type3A_440, %ne3A_442 : vector<16xi32>
        %all_reduce_population_count3A = tpu.all_reduce %ne3A_443 {dim = 0 : i64, kind = #tpu.reduction_kind<sum>} : vector<16xi1> -> vector<16xi32>
        %slice3A_444 = vector.extract_strided_slice %all_reduce_population_count3A {offsets = [0], sizes = [1], strides = [1]} : vector<16xi32> to vector<1xi32>
        %squeeze3A_445 = vector.extract %slice3A_444[0] : i32 from vector<1xi32>
        %swap3A_446 = arith.constant 0 : index
        %swap3A_447 = tpu.vector_load %arg7[%swap3A_446] {strides = array<i32>} : memref<32xi32, #tpu.memory_space<vmem>>, vector<16xi32>,
        tpu.vector_store %arg7[%swap3A_446], %convert_element_type3A_440 {strides = array<i32>} : memref<32xi32, #tpu.memory_space<vmem>>, vector<16xi32>,
        %mul3A_448 = arith.constant 256 : i32
        %mul3A_449 = arith.muli %while3A_433, %mul3A_448 : i32
        %while3A_450 = arith.constant 0 : i32
        %while3A_451 = arith.subi %squeeze3A_445, %while3A_450 : i32
        %while3A_452 = arith.addi %while3A_450, %while3A_451 : i32
        %while3A_453 = arith.constant 1 : i32
        %while3A_454 = arith.divsi %while3A_451, %while3A_453 : i32
        %while3A_455 = arith.muli %while3A_454, %while3A_453 : i32
        %while3A_456 = arith.addi %while3A_450, %while3A_455 : i32
        %while3A_457 = arith.constant 1 : i32
        %while3A_458:2 = scf.for %while3A_463 = %while3A_450 to %while3A_456 step %while3A_457 iter_args(%while3A_464 = %ne3A_443, %while3A_465 = %while3A_434) -> (vector<16xi1>, i32)  : i32 {
          %all_reduce_ffs3A = tpu.all_reduce %while3A_464 {dim = 0 : i64, kind = #tpu.reduction_kind<find_first_set>} : vector<16xi1> -> vector<16xi32>
          %slice3A_466 = vector.extract_strided_slice %all_reduce_ffs3A {offsets = [0], sizes = [1], strides = [1]} : vector<16xi32> to vector<1xi32>
          %squeeze3A_467 = vector.extract %slice3A_466[0] : i32 from vector<1xi32>
          %get3A_468 = arith.index_cast %squeeze3A_467 : i32 to index
          %get3A_469 = tpu.vector_load %arg7[%get3A_468] {strides = array<i32>} : memref<32xi32, #tpu.memory_space<vmem>>, vector<16xi32>,
          %slice3A_470 = vector.extract_strided_slice %get3A_469 {offsets = [0], sizes = [1], strides = [1]} : vector<16xi32> to vector<1xi32>
          %squeeze3A_471 = vector.extract %slice3A_470[0] : i32 from vector<1xi32>
          %mul3A_472 = arith.constant 16 : i32
          %mul3A_473 = arith.muli %squeeze3A_467, %mul3A_472 : i32
          %add3A_474 = arith.addi %mul3A_449, %mul3A_473 : i32
          %while3A_475:2 = scf.while (%while3A_479 = %squeeze3A_471, %while3A_480 = %while3A_465) : (i32, i32) -> (i32, i32) {
            %gt3A_481 = arith.constant 0 : i32
            %gt3A_482 = arith.cmpi sgt, %while3A_479, %gt3A_481 : i32
            scf.condition(%gt3A_482) %while3A_479, %while3A_480 : i32, i32
          } do {
          ^bb0(%while3A_479: i32, %while3A_480: i32):
            %neg3A = arith.constant 0 : i32
            %neg3A_481 = arith.subi %neg3A, %while3A_479 : i32
            %and3A_482 = arith.andi %while3A_479, %neg3A_481 : i32
            %convert_element_type3A_483 = arith.sitofp %and3A_482 : i32 to f32
            %bitcast_convert_type3A = arith.bitcast %convert_element_type3A_483 : f32 to i32
            %shift_right_arithmetic3A = arith.constant 23 : i32
            %shift_right_arithmetic3A_484 = arith.shrsi %bitcast_convert_type3A, %shift_right_arithmetic3A : i32
            %sub3A_485 = arith.constant 127 : i32
            %sub3A_486 = arith.subi %shift_right_arithmetic3A_484, %sub3A_485 : i32
            %add3A_487 = arith.addi %add3A_474, %sub3A_486 : i32
            %broadcast_in_dim3A_488 = vector.broadcast %add3A_487 : i32 to vector<16xi32>
            %swap3A_489 = arith.index_cast %while3A_480 : i32 to index
            %swap3A_490 = tpu.vector_load %arg6[%swap3A_489] {strides = array<i32>} : memref<4112xi32, #tpu.memory_space<vmem>>, vector<16xi32>,
            tpu.vector_store %arg6[%swap3A_489], %broadcast_in_dim3A_488 {strides = array<i32>} : memref<4112xi32, #tpu.memory_space<vmem>>, vector<16xi32>,
            %sub3A_491 = arith.constant 1 : i32
            %sub3A_492 = arith.subi %while3A_479, %sub3A_491 : i32
            %and3A_493 = arith.andi %while3A_479, %sub3A_492 : i32
            %add3A_494 = arith.constant 1 : i32
            %add3A_495 = arith.addi %while3A_480, %add3A_494 : i32
            scf.yield %and3A_493, %add3A_495 : i32, i32
          }
          %ne3A_476 = vector.broadcast %squeeze3A_467 : i32 to vector<16xi32>
          %ne3A_477 = arith.cmpi ne, %iota3A, %ne3A_476 : vector<16xi32>
          %and3A_478 = arith.andi %while3A_464, %ne3A_477 : vector<16xi1>
          scf.yield %and3A_478, %while3A_475#1 : vector<16xi1>, i32
        }
        %while3A_459 = arith.constant 1 : i32
        %while3A_460:2 = scf.for %while3A_463 = %while3A_456 to %while3A_452 step %while3A_459 iter_args(%while3A_464 = %while3A_458#0, %while3A_465 = %while3A_458#1) -> (vector<16xi1>, i32)  : i32 {
          %all_reduce_ffs3A = tpu.all_reduce %while3A_464 {dim = 0 : i64, kind = #tpu.reduction_kind<find_first_set>} : vector<16xi1> -> vector<16xi32>
          %slice3A_466 = vector.extract_strided_slice %all_reduce_ffs3A {offsets = [0], sizes = [1], strides = [1]} : vector<16xi32> to vector<1xi32>
          %squeeze3A_467 = vector.extract %slice3A_466[0] : i32 from vector<1xi32>
          %get3A_468 = arith.index_cast %squeeze3A_467 : i32 to index
          %get3A_469 = tpu.vector_load %arg7[%get3A_468] {strides = array<i32>} : memref<32xi32, #tpu.memory_space<vmem>>, vector<16xi32>,
          %slice3A_470 = vector.extract_strided_slice %get3A_469 {offsets = [0], sizes = [1], strides = [1]} : vector<16xi32> to vector<1xi32>
          %squeeze3A_471 = vector.extract %slice3A_470[0] : i32 from vector<1xi32>
          %mul3A_472 = arith.constant 16 : i32
          %mul3A_473 = arith.muli %squeeze3A_467, %mul3A_472 : i32
          %add3A_474 = arith.addi %mul3A_449, %mul3A_473 : i32
          %while3A_475:2 = scf.while (%while3A_479 = %squeeze3A_471, %while3A_480 = %while3A_465) : (i32, i32) -> (i32, i32) {
            %gt3A_481 = arith.constant 0 : i32
            %gt3A_482 = arith.cmpi sgt, %while3A_479, %gt3A_481 : i32
            scf.condition(%gt3A_482) %while3A_479, %while3A_480 : i32, i32
          } do {
          ^bb0(%while3A_479: i32, %while3A_480: i32):
            %neg3A = arith.constant 0 : i32
            %neg3A_481 = arith.subi %neg3A, %while3A_479 : i32
            %and3A_482 = arith.andi %while3A_479, %neg3A_481 : i32
            %convert_element_type3A_483 = arith.sitofp %and3A_482 : i32 to f32
            %bitcast_convert_type3A = arith.bitcast %convert_element_type3A_483 : f32 to i32
            %shift_right_arithmetic3A = arith.constant 23 : i32
            %shift_right_arithmetic3A_484 = arith.shrsi %bitcast_convert_type3A, %shift_right_arithmetic3A : i32
            %sub3A_485 = arith.constant 127 : i32
            %sub3A_486 = arith.subi %shift_right_arithmetic3A_484, %sub3A_485 : i32
            %add3A_487 = arith.addi %add3A_474, %sub3A_486 : i32
            %broadcast_in_dim3A_488 = vector.broadcast %add3A_487 : i32 to vector<16xi32>
            %swap3A_489 = arith.index_cast %while3A_480 : i32 to index
            %swap3A_490 = tpu.vector_load %arg6[%swap3A_489] {strides = array<i32>} : memref<4112xi32, #tpu.memory_space<vmem>>, vector<16xi32>,
            tpu.vector_store %arg6[%swap3A_489], %broadcast_in_dim3A_488 {strides = array<i32>} : memref<4112xi32, #tpu.memory_space<vmem>>, vector<16xi32>,
            %sub3A_491 = arith.constant 1 : i32
            %sub3A_492 = arith.subi %while3A_479, %sub3A_491 : i32
            %and3A_493 = arith.andi %while3A_479, %sub3A_492 : i32
            %add3A_494 = arith.constant 1 : i32
            %add3A_495 = arith.addi %while3A_480, %add3A_494 : i32
            scf.yield %and3A_493, %add3A_495 : i32, i32
          }
          %ne3A_476 = vector.broadcast %squeeze3A_467 : i32 to vector<16xi32>
          %ne3A_477 = arith.cmpi ne, %iota3A, %ne3A_476 : vector<16xi32>
          %and3A_478 = arith.andi %while3A_464, %ne3A_477 : vector<16xi1>
          scf.yield %and3A_478, %while3A_475#1 : vector<16xi1>, i32
        }
        %add3A_461 = arith.constant 1 : i32
        %add3A_462 = arith.addi %while3A_433, %add3A_461 : i32
        scf.yield %add3A_462, %while3A_460#1 : i32, i32
      }
      %get3A_271 = arith.constant 0 : index
      %get3A_272 = tpu.vector_load %arg6[%get3A_271] {strides = array<i32>} : memref<4112xi32, #tpu.memory_space<vmem>>, vector<16xi32>,
      %slice3A_273 = vector.extract_strided_slice %get3A_272 {offsets = [0], sizes = [1], strides = [1]} : vector<16xi32> to vector<1xi32>
      %squeeze3A_274 = vector.extract %slice3A_273[0] : i32 from vector<1xi32>
      %get3A_275 = arith.constant 0 : index
      %get3A_276 = tpu.vector_load %arg6[%get3A_275] {strides = array<i32>} : memref<4112xi32, #tpu.memory_space<vmem>>, vector<16xi32>,
      %iota3A_277 = tpu.iota {dimensions = array<i32: 0>} : vector<16xi32>
      %add3A_278 = arith.constant 0 : i32
      %add3A_279 = vector.broadcast %add3A_278 : i32 to vector<16xi32>
      %add3A_280 = arith.addi %iota3A_277, %add3A_279 : vector<16xi32>
      %lt3A_281 = vector.broadcast %while3A_270#1 : i32 to vector<16xi32>
      %lt3A_282 = arith.cmpi slt, %add3A_280, %lt3A_281 : vector<16xi32>
      %broadcast_in_dim3A_283 = vector.broadcast %squeeze3A_274 : i32 to vector<16xi32>
      %select_n3A_284 = arith.select %lt3A_282, %get3A_276, %broadcast_in_dim3A_283 : vector<16xi1>, vector<16xi32>
      %add3A_285 = vector.broadcast %mul3A_38 : i32 to vector<16xi32>
      %add3A_286 = arith.addi %select_n3A_284, %add3A_285 : vector<16xi32>
      %swap3A_287 = arith.constant 1 : i32
      %swap3A_288 = arith.index_cast %swap3A_287 : i32 to index
      %swap3A_289 = arith.constant 0 : index
      %swap3A_290 = tpu.vector_load %arg8[%swap3A_288, %swap3A_289] {strides = array<i32>} : memref<2x128xi32, #tpu.memory_space<vmem>>, vector<16xi32>,
      tpu.vector_store %arg8[%swap3A_288, %swap3A_289], %add3A_286 {strides = array<i32>} : memref<2x128xi32, #tpu.memory_space<vmem>>, vector<16xi32>,
      %get3A_291 = arith.constant 16 : index
      %get3A_292 = tpu.vector_load %arg6[%get3A_291] {strides = array<i32>} : memref<4112xi32, #tpu.memory_space<vmem>>, vector<16xi32>,
      %iota3A_293 = tpu.iota {dimensions = array<i32: 0>} : vector<16xi32>
      %add3A_294 = arith.constant 16 : i32
      %add3A_295 = vector.broadcast %add3A_294 : i32 to vector<16xi32>
      %add3A_296 = arith.addi %iota3A_293, %add3A_295 : vector<16xi32>
      %lt3A_297 = vector.broadcast %while3A_270#1 : i32 to vector<16xi32>
      %lt3A_298 = arith.cmpi slt, %add3A_296, %lt3A_297 : vector<16xi32>
      %broadcast_in_dim3A_299 = vector.broadcast %squeeze3A_274 : i32 to vector<16xi32>
      %select_n3A_300 = arith.select %lt3A_298, %get3A_292, %broadcast_in_dim3A_299 : vector<16xi1>, vector<16xi32>
      %add3A_301 = vector.broadcast %mul3A_38 : i32 to vector<16xi32>
      %add3A_302 = arith.addi %select_n3A_300, %add3A_301 : vector<16xi32>
      %swap3A_303 = arith.constant 1 : i32
      %swap3A_304 = arith.index_cast %swap3A_303 : i32 to index
      %swap3A_305 = arith.constant 16 : index
      %swap3A_306 = tpu.vector_load %arg8[%swap3A_304, %swap3A_305] {strides = array<i32>} : memref<2x128xi32, #tpu.memory_space<vmem>>, vector<16xi32>,
      tpu.vector_store %arg8[%swap3A_304, %swap3A_305], %add3A_302 {strides = array<i32>} : memref<2x128xi32, #tpu.memory_space<vmem>>, vector<16xi32>,
      %get3A_307 = arith.constant 32 : index
      %get3A_308 = tpu.vector_load %arg6[%get3A_307] {strides = array<i32>} : memref<4112xi32, #tpu.memory_space<vmem>>, vector<16xi32>,
      %iota3A_309 = tpu.iota {dimensions = array<i32: 0>} : vector<16xi32>
      %add3A_310 = arith.constant 32 : i32
      %add3A_311 = vector.broadcast %add3A_310 : i32 to vector<16xi32>
      %add3A_312 = arith.addi %iota3A_309, %add3A_311 : vector<16xi32>
      %lt3A_313 = vector.broadcast %while3A_270#1 : i32 to vector<16xi32>
      %lt3A_314 = arith.cmpi slt, %add3A_312, %lt3A_313 : vector<16xi32>
      %broadcast_in_dim3A_315 = vector.broadcast %squeeze3A_274 : i32 to vector<16xi32>
      %select_n3A_316 = arith.select %lt3A_314, %get3A_308, %broadcast_in_dim3A_315 : vector<16xi1>, vector<16xi32>
      %add3A_317 = vector.broadcast %mul3A_38 : i32 to vector<16xi32>
      %add3A_318 = arith.addi %select_n3A_316, %add3A_317 : vector<16xi32>
      %swap3A_319 = arith.constant 1 : i32
      %swap3A_320 = arith.index_cast %swap3A_319 : i32 to index
      %swap3A_321 = arith.constant 32 : index
      %swap3A_322 = tpu.vector_load %arg8[%swap3A_320, %swap3A_321] {strides = array<i32>} : memref<2x128xi32, #tpu.memory_space<vmem>>, vector<16xi32>,
      tpu.vector_store %arg8[%swap3A_320, %swap3A_321], %add3A_318 {strides = array<i32>} : memref<2x128xi32, #tpu.memory_space<vmem>>, vector<16xi32>,
      %get3A_323 = arith.constant 48 : index
      %get3A_324 = tpu.vector_load %arg6[%get3A_323] {strides = array<i32>} : memref<4112xi32, #tpu.memory_space<vmem>>, vector<16xi32>,
      %iota3A_325 = tpu.iota {dimensions = array<i32: 0>} : vector<16xi32>
      %add3A_326 = arith.constant 48 : i32
      %add3A_327 = vector.broadcast %add3A_326 : i32 to vector<16xi32>
      %add3A_328 = arith.addi %iota3A_325, %add3A_327 : vector<16xi32>
      %lt3A_329 = vector.broadcast %while3A_270#1 : i32 to vector<16xi32>
      %lt3A_330 = arith.cmpi slt, %add3A_328, %lt3A_329 : vector<16xi32>
      %broadcast_in_dim3A_331 = vector.broadcast %squeeze3A_274 : i32 to vector<16xi32>
      %select_n3A_332 = arith.select %lt3A_330, %get3A_324, %broadcast_in_dim3A_331 : vector<16xi1>, vector<16xi32>
      %add3A_333 = vector.broadcast %mul3A_38 : i32 to vector<16xi32>
      %add3A_334 = arith.addi %select_n3A_332, %add3A_333 : vector<16xi32>
      %swap3A_335 = arith.constant 1 : i32
      %swap3A_336 = arith.index_cast %swap3A_335 : i32 to index
      %swap3A_337 = arith.constant 48 : index
      %swap3A_338 = tpu.vector_load %arg8[%swap3A_336, %swap3A_337] {strides = array<i32>} : memref<2x128xi32, #tpu.memory_space<vmem>>, vector<16xi32>,
      tpu.vector_store %arg8[%swap3A_336, %swap3A_337], %add3A_334 {strides = array<i32>} : memref<2x128xi32, #tpu.memory_space<vmem>>, vector<16xi32>,
      %mul3A_339 = arith.constant 2 : i32
      %mul3A_340 = arith.muli %add3A_256, %mul3A_339 : i32
      %add3A_341 = arith.constant 1 : i32
      %add3A_342 = arith.addi %mul3A_340, %add3A_341 : i32
      %mul3A_343 = arith.constant 256 : i32
      %mul3A_344 = arith.muli %add3A_342, %mul3A_343 : i32
      %while3A_345 = arith.constant 0 : i32
      %while3A_346 = arith.constant 0 : i32
      %while3A_347:2 = scf.while (%while3A_433 = %while3A_345, %while3A_434 = %while3A_346) : (i32, i32) -> (i32, i32) {
        %lt3A_435 = arith.constant 16 : i32
        %lt3A_436 = arith.cmpi slt, %while3A_433, %lt3A_435 : i32
        %lt3A_437 = arith.constant 64 : i32
        %lt3A_438 = arith.cmpi slt, %while3A_434, %lt3A_437 : i32
        %and3A_439 = arith.andi %lt3A_436, %lt3A_438 : i1
        scf.condition(%and3A_439) %while3A_433, %while3A_434 : i32, i32
      } do {
      ^bb0(%while3A_433: i32, %while3A_434: i32):
        %mul3A_435 = arith.constant 16 : i32
        %mul3A_436 = arith.muli %while3A_433, %mul3A_435 : i32
        %add3A_437 = arith.addi %mul3A_344, %mul3A_436 : i32
        %get3A_438 = arith.index_cast %add3A_437 : i32 to index
        %get3A_439 = tpu.vector_load %arg5[%get3A_438] {strides = array<i32>} : memref<65536xf32, #tpu.memory_space<vmem>>, vector<16xf32>,
        %convert_element_type3A_440 = arith.fptosi %get3A_439 : vector<16xf32> to vector<16xi32>
        %ne3A_441 = arith.constant 0 : i32
        %ne3A_442 = vector.broadcast %ne3A_441 : i32 to vector<16xi32>
        %ne3A_443 = arith.cmpi ne, %convert_element_type3A_440, %ne3A_442 : vector<16xi32>
        %all_reduce_population_count3A = tpu.all_reduce %ne3A_443 {dim = 0 : i64, kind = #tpu.reduction_kind<sum>} : vector<16xi1> -> vector<16xi32>
        %slice3A_444 = vector.extract_strided_slice %all_reduce_population_count3A {offsets = [0], sizes = [1], strides = [1]} : vector<16xi32> to vector<1xi32>
        %squeeze3A_445 = vector.extract %slice3A_444[0] : i32 from vector<1xi32>
        %swap3A_446 = arith.constant 0 : index
        %swap3A_447 = tpu.vector_load %arg7[%swap3A_446] {strides = array<i32>} : memref<32xi32, #tpu.memory_space<vmem>>, vector<16xi32>,
        tpu.vector_store %arg7[%swap3A_446], %convert_element_type3A_440 {strides = array<i32>} : memref<32xi32, #tpu.memory_space<vmem>>, vector<16xi32>,
        %mul3A_448 = arith.constant 256 : i32
        %mul3A_449 = arith.muli %while3A_433, %mul3A_448 : i32
        %while3A_450 = arith.constant 0 : i32
        %while3A_451 = arith.subi %squeeze3A_445, %while3A_450 : i32
        %while3A_452 = arith.addi %while3A_450, %while3A_451 : i32
        %while3A_453 = arith.constant 1 : i32
        %while3A_454 = arith.divsi %while3A_451, %while3A_453 : i32
        %while3A_455 = arith.muli %while3A_454, %while3A_453 : i32
        %while3A_456 = arith.addi %while3A_450, %while3A_455 : i32
        %while3A_457 = arith.constant 1 : i32
        %while3A_458:2 = scf.for %while3A_463 = %while3A_450 to %while3A_456 step %while3A_457 iter_args(%while3A_464 = %ne3A_443, %while3A_465 = %while3A_434) -> (vector<16xi1>, i32)  : i32 {
          %all_reduce_ffs3A = tpu.all_reduce %while3A_464 {dim = 0 : i64, kind = #tpu.reduction_kind<find_first_set>} : vector<16xi1> -> vector<16xi32>
          %slice3A_466 = vector.extract_strided_slice %all_reduce_ffs3A {offsets = [0], sizes = [1], strides = [1]} : vector<16xi32> to vector<1xi32>
          %squeeze3A_467 = vector.extract %slice3A_466[0] : i32 from vector<1xi32>
          %get3A_468 = arith.index_cast %squeeze3A_467 : i32 to index
          %get3A_469 = tpu.vector_load %arg7[%get3A_468] {strides = array<i32>} : memref<32xi32, #tpu.memory_space<vmem>>, vector<16xi32>,
          %slice3A_470 = vector.extract_strided_slice %get3A_469 {offsets = [0], sizes = [1], strides = [1]} : vector<16xi32> to vector<1xi32>
          %squeeze3A_471 = vector.extract %slice3A_470[0] : i32 from vector<1xi32>
          %mul3A_472 = arith.constant 16 : i32
          %mul3A_473 = arith.muli %squeeze3A_467, %mul3A_472 : i32
          %add3A_474 = arith.addi %mul3A_449, %mul3A_473 : i32
          %while3A_475:2 = scf.while (%while3A_479 = %squeeze3A_471, %while3A_480 = %while3A_465) : (i32, i32) -> (i32, i32) {
            %gt3A_481 = arith.constant 0 : i32
            %gt3A_482 = arith.cmpi sgt, %while3A_479, %gt3A_481 : i32
            scf.condition(%gt3A_482) %while3A_479, %while3A_480 : i32, i32
          } do {
          ^bb0(%while3A_479: i32, %while3A_480: i32):
            %neg3A = arith.constant 0 : i32
            %neg3A_481 = arith.subi %neg3A, %while3A_479 : i32
            %and3A_482 = arith.andi %while3A_479, %neg3A_481 : i32
            %convert_element_type3A_483 = arith.sitofp %and3A_482 : i32 to f32
            %bitcast_convert_type3A = arith.bitcast %convert_element_type3A_483 : f32 to i32
            %shift_right_arithmetic3A = arith.constant 23 : i32
            %shift_right_arithmetic3A_484 = arith.shrsi %bitcast_convert_type3A, %shift_right_arithmetic3A : i32
            %sub3A_485 = arith.constant 127 : i32
            %sub3A_486 = arith.subi %shift_right_arithmetic3A_484, %sub3A_485 : i32
            %add3A_487 = arith.addi %add3A_474, %sub3A_486 : i32
            %broadcast_in_dim3A_488 = vector.broadcast %add3A_487 : i32 to vector<16xi32>
            %swap3A_489 = arith.index_cast %while3A_480 : i32 to index
            %swap3A_490 = tpu.vector_load %arg6[%swap3A_489] {strides = array<i32>} : memref<4112xi32, #tpu.memory_space<vmem>>, vector<16xi32>,
            tpu.vector_store %arg6[%swap3A_489], %broadcast_in_dim3A_488 {strides = array<i32>} : memref<4112xi32, #tpu.memory_space<vmem>>, vector<16xi32>,
            %sub3A_491 = arith.constant 1 : i32
            %sub3A_492 = arith.subi %while3A_479, %sub3A_491 : i32
            %and3A_493 = arith.andi %while3A_479, %sub3A_492 : i32
            %add3A_494 = arith.constant 1 : i32
            %add3A_495 = arith.addi %while3A_480, %add3A_494 : i32
            scf.yield %and3A_493, %add3A_495 : i32, i32
          }
          %ne3A_476 = vector.broadcast %squeeze3A_467 : i32 to vector<16xi32>
          %ne3A_477 = arith.cmpi ne, %iota3A, %ne3A_476 : vector<16xi32>
          %and3A_478 = arith.andi %while3A_464, %ne3A_477 : vector<16xi1>
          scf.yield %and3A_478, %while3A_475#1 : vector<16xi1>, i32
        }
        %while3A_459 = arith.constant 1 : i32
        %while3A_460:2 = scf.for %while3A_463 = %while3A_456 to %while3A_452 step %while3A_459 iter_args(%while3A_464 = %while3A_458#0, %while3A_465 = %while3A_458#1) -> (vector<16xi1>, i32)  : i32 {
          %all_reduce_ffs3A = tpu.all_reduce %while3A_464 {dim = 0 : i64, kind = #tpu.reduction_kind<find_first_set>} : vector<16xi1> -> vector<16xi32>
          %slice3A_466 = vector.extract_strided_slice %all_reduce_ffs3A {offsets = [0], sizes = [1], strides = [1]} : vector<16xi32> to vector<1xi32>
          %squeeze3A_467 = vector.extract %slice3A_466[0] : i32 from vector<1xi32>
          %get3A_468 = arith.index_cast %squeeze3A_467 : i32 to index
          %get3A_469 = tpu.vector_load %arg7[%get3A_468] {strides = array<i32>} : memref<32xi32, #tpu.memory_space<vmem>>, vector<16xi32>,
          %slice3A_470 = vector.extract_strided_slice %get3A_469 {offsets = [0], sizes = [1], strides = [1]} : vector<16xi32> to vector<1xi32>
          %squeeze3A_471 = vector.extract %slice3A_470[0] : i32 from vector<1xi32>
          %mul3A_472 = arith.constant 16 : i32
          %mul3A_473 = arith.muli %squeeze3A_467, %mul3A_472 : i32
          %add3A_474 = arith.addi %mul3A_449, %mul3A_473 : i32
          %while3A_475:2 = scf.while (%while3A_479 = %squeeze3A_471, %while3A_480 = %while3A_465) : (i32, i32) -> (i32, i32) {
            %gt3A_481 = arith.constant 0 : i32
            %gt3A_482 = arith.cmpi sgt, %while3A_479, %gt3A_481 : i32
            scf.condition(%gt3A_482) %while3A_479, %while3A_480 : i32, i32
          } do {
          ^bb0(%while3A_479: i32, %while3A_480: i32):
            %neg3A = arith.constant 0 : i32
            %neg3A_481 = arith.subi %neg3A, %while3A_479 : i32
            %and3A_482 = arith.andi %while3A_479, %neg3A_481 : i32
            %convert_element_type3A_483 = arith.sitofp %and3A_482 : i32 to f32
            %bitcast_convert_type3A = arith.bitcast %convert_element_type3A_483 : f32 to i32
            %shift_right_arithmetic3A = arith.constant 23 : i32
            %shift_right_arithmetic3A_484 = arith.shrsi %bitcast_convert_type3A, %shift_right_arithmetic3A : i32
            %sub3A_485 = arith.constant 127 : i32
            %sub3A_486 = arith.subi %shift_right_arithmetic3A_484, %sub3A_485 : i32
            %add3A_487 = arith.addi %add3A_474, %sub3A_486 : i32
            %broadcast_in_dim3A_488 = vector.broadcast %add3A_487 : i32 to vector<16xi32>
            %swap3A_489 = arith.index_cast %while3A_480 : i32 to index
            %swap3A_490 = tpu.vector_load %arg6[%swap3A_489] {strides = array<i32>} : memref<4112xi32, #tpu.memory_space<vmem>>, vector<16xi32>,
            tpu.vector_store %arg6[%swap3A_489], %broadcast_in_dim3A_488 {strides = array<i32>} : memref<4112xi32, #tpu.memory_space<vmem>>, vector<16xi32>,
            %sub3A_491 = arith.constant 1 : i32
            %sub3A_492 = arith.subi %while3A_479, %sub3A_491 : i32
            %and3A_493 = arith.andi %while3A_479, %sub3A_492 : i32
            %add3A_494 = arith.constant 1 : i32
            %add3A_495 = arith.addi %while3A_480, %add3A_494 : i32
            scf.yield %and3A_493, %add3A_495 : i32, i32
          }
          %ne3A_476 = vector.broadcast %squeeze3A_467 : i32 to vector<16xi32>
          %ne3A_477 = arith.cmpi ne, %iota3A, %ne3A_476 : vector<16xi32>
          %and3A_478 = arith.andi %while3A_464, %ne3A_477 : vector<16xi1>
          scf.yield %and3A_478, %while3A_475#1 : vector<16xi1>, i32
        }
        %add3A_461 = arith.constant 1 : i32
        %add3A_462 = arith.addi %while3A_433, %add3A_461 : i32
        scf.yield %add3A_462, %while3A_460#1 : i32, i32
      }
      %get3A_348 = arith.constant 0 : index
      %get3A_349 = tpu.vector_load %arg6[%get3A_348] {strides = array<i32>} : memref<4112xi32, #tpu.memory_space<vmem>>, vector<16xi32>,
      %slice3A_350 = vector.extract_strided_slice %get3A_349 {offsets = [0], sizes = [1], strides = [1]} : vector<16xi32> to vector<1xi32>
      %squeeze3A_351 = vector.extract %slice3A_350[0] : i32 from vector<1xi32>
      %get3A_352 = arith.constant 0 : index
      %get3A_353 = tpu.vector_load %arg6[%get3A_352] {strides = array<i32>} : memref<4112xi32, #tpu.memory_space<vmem>>, vector<16xi32>,
      %iota3A_354 = tpu.iota {dimensions = array<i32: 0>} : vector<16xi32>
      %add3A_355 = arith.constant 0 : i32
      %add3A_356 = vector.broadcast %add3A_355 : i32 to vector<16xi32>
      %add3A_357 = arith.addi %iota3A_354, %add3A_356 : vector<16xi32>
      %lt3A_358 = vector.broadcast %while3A_347#1 : i32 to vector<16xi32>
      %lt3A_359 = arith.cmpi slt, %add3A_357, %lt3A_358 : vector<16xi32>
      %broadcast_in_dim3A_360 = vector.broadcast %squeeze3A_351 : i32 to vector<16xi32>
      %select_n3A_361 = arith.select %lt3A_359, %get3A_353, %broadcast_in_dim3A_360 : vector<16xi1>, vector<16xi32>
      %add3A_362 = vector.broadcast %mul3A_38 : i32 to vector<16xi32>
      %add3A_363 = arith.addi %select_n3A_361, %add3A_362 : vector<16xi32>
      %swap3A_364 = arith.constant 1 : i32
      %swap3A_365 = arith.index_cast %swap3A_364 : i32 to index
      %swap3A_366 = arith.constant 64 : index
      %swap3A_367 = tpu.vector_load %arg8[%swap3A_365, %swap3A_366] {strides = array<i32>} : memref<2x128xi32, #tpu.memory_space<vmem>>, vector<16xi32>,
      tpu.vector_store %arg8[%swap3A_365, %swap3A_366], %add3A_363 {strides = array<i32>} : memref<2x128xi32, #tpu.memory_space<vmem>>, vector<16xi32>,
      %get3A_368 = arith.constant 16 : index
      %get3A_369 = tpu.vector_load %arg6[%get3A_368] {strides = array<i32>} : memref<4112xi32, #tpu.memory_space<vmem>>, vector<16xi32>,
      %iota3A_370 = tpu.iota {dimensions = array<i32: 0>} : vector<16xi32>
      %add3A_371 = arith.constant 16 : i32
      %add3A_372 = vector.broadcast %add3A_371 : i32 to vector<16xi32>
      %add3A_373 = arith.addi %iota3A_370, %add3A_372 : vector<16xi32>
      %lt3A_374 = vector.broadcast %while3A_347#1 : i32 to vector<16xi32>
      %lt3A_375 = arith.cmpi slt, %add3A_373, %lt3A_374 : vector<16xi32>
      %broadcast_in_dim3A_376 = vector.broadcast %squeeze3A_351 : i32 to vector<16xi32>
      %select_n3A_377 = arith.select %lt3A_375, %get3A_369, %broadcast_in_dim3A_376 : vector<16xi1>, vector<16xi32>
      %add3A_378 = vector.broadcast %mul3A_38 : i32 to vector<16xi32>
      %add3A_379 = arith.addi %select_n3A_377, %add3A_378 : vector<16xi32>
      %swap3A_380 = arith.constant 1 : i32
      %swap3A_381 = arith.index_cast %swap3A_380 : i32 to index
      %swap3A_382 = arith.constant 80 : index
      %swap3A_383 = tpu.vector_load %arg8[%swap3A_381, %swap3A_382] {strides = array<i32>} : memref<2x128xi32, #tpu.memory_space<vmem>>, vector<16xi32>,
      tpu.vector_store %arg8[%swap3A_381, %swap3A_382], %add3A_379 {strides = array<i32>} : memref<2x128xi32, #tpu.memory_space<vmem>>, vector<16xi32>,
      %get3A_384 = arith.constant 32 : index
      %get3A_385 = tpu.vector_load %arg6[%get3A_384] {strides = array<i32>} : memref<4112xi32, #tpu.memory_space<vmem>>, vector<16xi32>,
      %iota3A_386 = tpu.iota {dimensions = array<i32: 0>} : vector<16xi32>
      %add3A_387 = arith.constant 32 : i32
      %add3A_388 = vector.broadcast %add3A_387 : i32 to vector<16xi32>
      %add3A_389 = arith.addi %iota3A_386, %add3A_388 : vector<16xi32>
      %lt3A_390 = vector.broadcast %while3A_347#1 : i32 to vector<16xi32>
      %lt3A_391 = arith.cmpi slt, %add3A_389, %lt3A_390 : vector<16xi32>
      %broadcast_in_dim3A_392 = vector.broadcast %squeeze3A_351 : i32 to vector<16xi32>
      %select_n3A_393 = arith.select %lt3A_391, %get3A_385, %broadcast_in_dim3A_392 : vector<16xi1>, vector<16xi32>
      %add3A_394 = vector.broadcast %mul3A_38 : i32 to vector<16xi32>
      %add3A_395 = arith.addi %select_n3A_393, %add3A_394 : vector<16xi32>
      %swap3A_396 = arith.constant 1 : i32
      %swap3A_397 = arith.index_cast %swap3A_396 : i32 to index
      %swap3A_398 = arith.constant 96 : index
      %swap3A_399 = tpu.vector_load %arg8[%swap3A_397, %swap3A_398] {strides = array<i32>} : memref<2x128xi32, #tpu.memory_space<vmem>>, vector<16xi32>,
      tpu.vector_store %arg8[%swap3A_397, %swap3A_398], %add3A_395 {strides = array<i32>} : memref<2x128xi32, #tpu.memory_space<vmem>>, vector<16xi32>,
      %get3A_400 = arith.constant 48 : index
      %get3A_401 = tpu.vector_load %arg6[%get3A_400] {strides = array<i32>} : memref<4112xi32, #tpu.memory_space<vmem>>, vector<16xi32>,
      %iota3A_402 = tpu.iota {dimensions = array<i32: 0>} : vector<16xi32>
      %add3A_403 = arith.constant 48 : i32
      %add3A_404 = vector.broadcast %add3A_403 : i32 to vector<16xi32>
      %add3A_405 = arith.addi %iota3A_402, %add3A_404 : vector<16xi32>
      %lt3A_406 = vector.broadcast %while3A_347#1 : i32 to vector<16xi32>
      %lt3A_407 = arith.cmpi slt, %add3A_405, %lt3A_406 : vector<16xi32>
      %broadcast_in_dim3A_408 = vector.broadcast %squeeze3A_351 : i32 to vector<16xi32>
      %select_n3A_409 = arith.select %lt3A_407, %get3A_401, %broadcast_in_dim3A_408 : vector<16xi1>, vector<16xi32>
      %add3A_410 = vector.broadcast %mul3A_38 : i32 to vector<16xi32>
      %add3A_411 = arith.addi %select_n3A_409, %add3A_410 : vector<16xi32>
      %swap3A_412 = arith.constant 1 : i32
      %swap3A_413 = arith.index_cast %swap3A_412 : i32 to index
      %swap3A_414 = arith.constant 112 : index
      %swap3A_415 = tpu.vector_load %arg8[%swap3A_413, %swap3A_414] {strides = array<i32>} : memref<2x128xi32, #tpu.memory_space<vmem>>, vector<16xi32>,
      tpu.vector_store %arg8[%swap3A_413, %swap3A_414], %add3A_411 {strides = array<i32>} : memref<2x128xi32, #tpu.memory_space<vmem>>, vector<16xi32>,
      %gt3A_416 = arith.constant 0 : i32
      %gt3A_417 = arith.cmpi sgt, %scan3A_82, %gt3A_416 : i32
      %convert_element_type3A_418 = arith.extui %gt3A_417 : i1 to i32
      %cond3A_419 = arith.constant 0 : i32
      %cond3A_420 = arith.cmpi ne, %convert_element_type3A_418, %cond3A_419 : i32
      scf.if %cond3A_420 {
        %dma_wait3A_433 = arith.constant 1 : i32
        %dma_wait3A_434 = arith.constant 0 : i32
        %dma_wait3A_435 = arith.constant 0 : i32
        %dma_wait3A_436 = tpu.memref_slice %arg9[%dma_wait3A_433, %dma_wait3A_434, %dma_wait3A_435] : memref<2x128x128xf32, #tpu.memory_space<vmem>> -> memref<1x128x128xf32, #tpu.memory_space<vmem>>
        %dma_wait3A_437 = tpu.memref_squeeze %dma_wait3A_436 : memref<1x128x128xf32, #tpu.memory_space<vmem>> -> memref<128x128xf32, #tpu.memory_space<vmem>>
        %dma_wait3A_438 = arith.constant 0 : i32
        %dma_wait3A_439 = arith.constant 0 : i32
        %dma_wait3A_440 = tpu.memref_slice %arg4[%dma_wait3A_438, %dma_wait3A_439] : memref<524288x128xf32, #tpu.memory_space<hbm>> -> memref<128x128xf32, #tpu.memory_space<hbm>>
        %dma_wait3A_441 = arith.constant 0 : i32
        %dma_wait3A_442 = arith.constant 0 : i32
        %dma_wait3A_443 = tpu.memref_slice %arg4[%dma_wait3A_441, %dma_wait3A_442] : memref<524288x128xf32, #tpu.memory_space<hbm>> -> memref<128x128xf32, #tpu.memory_space<hbm>>
        %dma_wait3A_444 = arith.constant 0 : i32
        %dma_wait3A_445 = arith.constant 0 : i32
        %dma_wait3A_446 = tpu.memref_slice %arg9[%dma_wait3A_433, %dma_wait3A_444, %dma_wait3A_445] : memref<2x128x128xf32, #tpu.memory_space<vmem>> -> memref<1x128x128xf32, #tpu.memory_space<vmem>>
        %dma_wait3A_447 = tpu.memref_squeeze %dma_wait3A_446 : memref<1x128x128xf32, #tpu.memory_space<vmem>> -> memref<128x128xf32, #tpu.memory_space<vmem>>
        tpu.wait_dma2 semaphore(%arg13 : memref<!tpu.dma_semaphore, #tpu.memory_space<semaphore_mem>>) src(%dma_wait3A_447 : memref<128x128xf32, #tpu.memory_space<vmem>>) dst(%dma_wait3A_443 : memref<128x128xf32, #tpu.memory_space<hbm>>)
      } else {
      }
      %dma_start3A_421 = arith.constant 1 : i32
      %dma_start3A_422 = arith.constant 1 : i32
      %dma_start3A_423 = arith.constant 0 : i32
      %dma_start3A_424 = arith.constant 0 : i32
      %dma_start3A_425 = tpu.memref_slice %arg9[%dma_start3A_422, %dma_start3A_423, %dma_start3A_424] : memref<2x128x128xf32, #tpu.memory_space<vmem>> -> memref<1x128x128xf32, #tpu.memory_space<vmem>>
      %dma_start3A_426 = tpu.memref_squeeze %dma_start3A_425 : memref<1x128x128xf32, #tpu.memory_space<vmem>> -> memref<128x128xf32, #tpu.memory_space<vmem>>
      %dma_start3A_427 = arith.constant 0 : i32
      %dma_start3A_428 = tpu.memref_slice %arg8[%dma_start3A_421, %dma_start3A_427] : memref<2x128xi32, #tpu.memory_space<vmem>> -> memref<1x128xi32, #tpu.memory_space<vmem>>
      %dma_start3A_429 = tpu.memref_squeeze %dma_start3A_428 : memref<1x128xi32, #tpu.memory_space<vmem>> -> memref<128xi32, #tpu.memory_space<vmem>>
      %dma_start3A_430 = arith.constant 0 : i32
      %dma_start3A_431 = arith.constant 0 : i32
      %dma_start3A_432 = tpu.memref_slice %arg3[%dma_start3A_430, %dma_start3A_431] : memref<32768x128xf32, #tpu.memory_space<hbm>> -> memref<32768x128xf32, #tpu.memory_space<hbm>>
      tpu.enqueue_indirect_dma source(%dma_start3A_432 : memref<32768x128xf32, #tpu.memory_space<hbm>>) target(%dma_start3A_426 : memref<128x128xf32, #tpu.memory_space<vmem>>) offsets(%dma_start3A_429 : memref<128xi32, #tpu.memory_space<vmem>>) semaphore(%arg11 : memref<!tpu.dma_semaphore, #tpu.memory_space<semaphore_mem>>)
    }
    %scan3A_43 = arith.constant 64 : i32
    %dma_wait3A = arith.constant 0 : i32
    %dma_wait3A_44 = arith.constant 0 : i32
    %dma_wait3A_45 = arith.constant 0 : i32
    %dma_wait3A_46 = arith.constant 0 : i32
    %dma_wait3A_47 = tpu.memref_slice %arg9[%dma_wait3A_44, %dma_wait3A_45, %dma_wait3A_46] : memref<2x128x128xf32, #tpu.memory_space<vmem>> -> memref<1x128x128xf32, #tpu.memory_space<vmem>>
    %dma_wait3A_48 = tpu.memref_squeeze %dma_wait3A_47 : memref<1x128x128xf32, #tpu.memory_space<vmem>> -> memref<128x128xf32, #tpu.memory_space<vmem>>
    %dma_wait3A_49 = arith.constant 0 : i32
    %dma_wait3A_50 = tpu.memref_slice %arg8[%dma_wait3A, %dma_wait3A_49] : memref<2x128xi32, #tpu.memory_space<vmem>> -> memref<1x128xi32, #tpu.memory_space<vmem>>
    %dma_wait3A_51 = tpu.memref_squeeze %dma_wait3A_50 : memref<1x128xi32, #tpu.memory_space<vmem>> -> memref<128xi32, #tpu.memory_space<vmem>>
    %dma_wait3A_52 = arith.constant 0 : i32
    %dma_wait3A_53 = arith.constant 0 : i32
    %dma_wait3A_54 = tpu.memref_slice %arg3[%dma_wait3A_52, %dma_wait3A_53] : memref<32768x128xf32, #tpu.memory_space<hbm>> -> memref<32768x128xf32, #tpu.memory_space<hbm>>
    tpu.wait_indirect_dma semaphore(%arg10 : memref<!tpu.dma_semaphore, #tpu.memory_space<semaphore_mem>>) src(%dma_wait3A_54 : memref<32768x128xf32, #tpu.memory_space<hbm>>) dst(%dma_wait3A_48 : memref<128x128xf32, #tpu.memory_space<vmem>>)
    %mul3A_55 = arith.constant 1024 : i32
    %mul3A_56 = arith.muli %select_n3A, %mul3A_55 : i32
    %add3A_57 = arith.addi %mul3A_56, %mul3A_32 : i32
    %add3A_58 = arith.constant 252 : i32
    %add3A_59 = arith.addi %add3A_57, %add3A_58 : i32
    %mul3A_60 = arith.constant 64 : i32
    %mul3A_61 = arith.muli %add3A_59, %mul3A_60 : i32
    %run_scoped3A = arith.constant 0 : i32
    "tpu.region"() ({
      %run_scoped3A_82 = tpu.sem_alloc : memref<!tpu.dma_semaphore, #tpu.memory_space<semaphore_mem>>
      %dma_start3A = arith.constant 0 : i32
      %dma_start3A_83 = arith.constant 0 : i32
      %dma_start3A_84 = tpu.memref_slice %arg9[%run_scoped3A, %dma_start3A, %dma_start3A_83] : memref<2x128x128xf32, #tpu.memory_space<vmem>> -> memref<1x128x128xf32, #tpu.memory_space<vmem>>
      %dma_start3A_85 = tpu.memref_squeeze %dma_start3A_84 : memref<1x128x128xf32, #tpu.memory_space<vmem>> -> memref<128x128xf32, #tpu.memory_space<vmem>>
      %dma_start3A_86 = arith.constant 0 : i32
      %dma_start3A_87 = tpu.memref_slice %arg4[%mul3A_61, %dma_start3A_86] : memref<524288x128xf32, #tpu.memory_space<hbm>> -> memref<128x128xf32, #tpu.memory_space<hbm>>
      %dma_start3A_88 = arith.constant 0 : i32
      %dma_start3A_89 = tpu.memref_slice %arg4[%mul3A_61, %dma_start3A_88] : memref<524288x128xf32, #tpu.memory_space<hbm>> -> memref<128x128xf32, #tpu.memory_space<hbm>>
      %dma_start3A_90 = arith.constant 0 : i32
      %dma_start3A_91 = arith.constant 0 : i32
      %dma_start3A_92 = tpu.memref_slice %arg9[%run_scoped3A, %dma_start3A_90, %dma_start3A_91] : memref<2x128x128xf32, #tpu.memory_space<vmem>> -> memref<1x128x128xf32, #tpu.memory_space<vmem>>
      %dma_start3A_93 = tpu.memref_squeeze %dma_start3A_92 : memref<1x128x128xf32, #tpu.memory_space<vmem>> -> memref<128x128xf32, #tpu.memory_space<vmem>>
      tpu.enqueue_dma source(%dma_start3A_93 : memref<128x128xf32, #tpu.memory_space<vmem>>) target(%dma_start3A_89 : memref<128x128xf32, #tpu.memory_space<hbm>>) target_semaphore(%run_scoped3A_82 : memref<!tpu.dma_semaphore, #tpu.memory_space<semaphore_mem>>)
      %dma_wait3A_94 = arith.constant 0 : i32
      %dma_wait3A_95 = arith.constant 0 : i32
      %dma_wait3A_96 = tpu.memref_slice %arg9[%run_scoped3A, %dma_wait3A_94, %dma_wait3A_95] : memref<2x128x128xf32, #tpu.memory_space<vmem>> -> memref<1x128x128xf32, #tpu.memory_space<vmem>>
      %dma_wait3A_97 = tpu.memref_squeeze %dma_wait3A_96 : memref<1x128x128xf32, #tpu.memory_space<vmem>> -> memref<128x128xf32, #tpu.memory_space<vmem>>
      %dma_wait3A_98 = arith.constant 0 : i32
      %dma_wait3A_99 = tpu.memref_slice %arg4[%mul3A_61, %dma_wait3A_98] : memref<524288x128xf32, #tpu.memory_space<hbm>> -> memref<128x128xf32, #tpu.memory_space<hbm>>
      %dma_wait3A_100 = arith.constant 0 : i32
      %dma_wait3A_101 = tpu.memref_slice %arg4[%mul3A_61, %dma_wait3A_100] : memref<524288x128xf32, #tpu.memory_space<hbm>> -> memref<128x128xf32, #tpu.memory_space<hbm>>
      %dma_wait3A_102 = arith.constant 0 : i32
      %dma_wait3A_103 = arith.constant 0 : i32
      %dma_wait3A_104 = tpu.memref_slice %arg9[%run_scoped3A, %dma_wait3A_102, %dma_wait3A_103] : memref<2x128x128xf32, #tpu.memory_space<vmem>> -> memref<1x128x128xf32, #tpu.memory_space<vmem>>
      %dma_wait3A_105 = tpu.memref_squeeze %dma_wait3A_104 : memref<1x128x128xf32, #tpu.memory_space<vmem>> -> memref<128x128xf32, #tpu.memory_space<vmem>>
      tpu.wait_dma2 semaphore(%run_scoped3A_82 : memref<!tpu.dma_semaphore, #tpu.memory_space<semaphore_mem>>) src(%dma_wait3A_105 : memref<128x128xf32, #tpu.memory_space<vmem>>) dst(%dma_wait3A_101 : memref<128x128xf32, #tpu.memory_space<hbm>>)
      tpu.yield
    }) : () -> ()
    %dma_wait3A_62 = arith.constant 1 : i32
    %dma_wait3A_63 = arith.constant 1 : i32
    %dma_wait3A_64 = arith.constant 0 : i32
    %dma_wait3A_65 = arith.constant 0 : i32
    %dma_wait3A_66 = tpu.memref_slice %arg9[%dma_wait3A_63, %dma_wait3A_64, %dma_wait3A_65] : memref<2x128x128xf32, #tpu.memory_space<vmem>> -> memref<1x128x128xf32, #tpu.memory_space<vmem>>
    %dma_wait3A_67 = tpu.memref_squeeze %dma_wait3A_66 : memref<1x128x128xf32, #tpu.memory_space<vmem>> -> memref<128x128xf32, #tpu.memory_space<vmem>>
    %dma_wait3A_68 = arith.constant 0 : i32
    %dma_wait3A_69 = tpu.memref_slice %arg8[%dma_wait3A_62, %dma_wait3A_68] : memref<2x128xi32, #tpu.memory_space<vmem>> -> memref<1x128xi32, #tpu.memory_space<vmem>>
    %dma_wait3A_70 = tpu.memref_squeeze %dma_wait3A_69 : memref<1x128xi32, #tpu.memory_space<vmem>> -> memref<128xi32, #tpu.memory_space<vmem>>
    %dma_wait3A_71 = arith.constant 0 : i32
    %dma_wait3A_72 = arith.constant 0 : i32
    %dma_wait3A_73 = tpu.memref_slice %arg3[%dma_wait3A_71, %dma_wait3A_72] : memref<32768x128xf32, #tpu.memory_space<hbm>> -> memref<32768x128xf32, #tpu.memory_space<hbm>>
    tpu.wait_indirect_dma semaphore(%arg11 : memref<!tpu.dma_semaphore, #tpu.memory_space<semaphore_mem>>) src(%dma_wait3A_73 : memref<32768x128xf32, #tpu.memory_space<hbm>>) dst(%dma_wait3A_67 : memref<128x128xf32, #tpu.memory_space<vmem>>)
    %mul3A_74 = arith.constant 1024 : i32
    %mul3A_75 = arith.muli %select_n3A, %mul3A_74 : i32
    %add3A_76 = arith.addi %mul3A_75, %mul3A_32 : i32
    %add3A_77 = arith.constant 254 : i32
    %add3A_78 = arith.addi %add3A_76, %add3A_77 : i32
    %mul3A_79 = arith.constant 64 : i32
    %mul3A_80 = arith.muli %add3A_78, %mul3A_79 : i32
    %run_scoped3A_81 = arith.constant 1 : i32
    "tpu.region"() ({
      %run_scoped3A_82 = tpu.sem_alloc : memref<!tpu.dma_semaphore, #tpu.memory_space<semaphore_mem>>
      %dma_start3A = arith.constant 0 : i32
      %dma_start3A_83 = arith.constant 0 : i32
      %dma_start3A_84 = tpu.memref_slice %arg9[%run_scoped3A_81, %dma_start3A, %dma_start3A_83] : memref<2x128x128xf32, #tpu.memory_space<vmem>> -> memref<1x128x128xf32, #tpu.memory_space<vmem>>
      %dma_start3A_85 = tpu.memref_squeeze %dma_start3A_84 : memref<1x128x128xf32, #tpu.memory_space<vmem>> -> memref<128x128xf32, #tpu.memory_space<vmem>>
      %dma_start3A_86 = arith.constant 0 : i32
      %dma_start3A_87 = tpu.memref_slice %arg4[%mul3A_80, %dma_start3A_86] : memref<524288x128xf32, #tpu.memory_space<hbm>> -> memref<128x128xf32, #tpu.memory_space<hbm>>
      %dma_start3A_88 = arith.constant 0 : i32
      %dma_start3A_89 = tpu.memref_slice %arg4[%mul3A_80, %dma_start3A_88] : memref<524288x128xf32, #tpu.memory_space<hbm>> -> memref<128x128xf32, #tpu.memory_space<hbm>>
      %dma_start3A_90 = arith.constant 0 : i32
      %dma_start3A_91 = arith.constant 0 : i32
      %dma_start3A_92 = tpu.memref_slice %arg9[%run_scoped3A_81, %dma_start3A_90, %dma_start3A_91] : memref<2x128x128xf32, #tpu.memory_space<vmem>> -> memref<1x128x128xf32, #tpu.memory_space<vmem>>
      %dma_start3A_93 = tpu.memref_squeeze %dma_start3A_92 : memref<1x128x128xf32, #tpu.memory_space<vmem>> -> memref<128x128xf32, #tpu.memory_space<vmem>>
      tpu.enqueue_dma source(%dma_start3A_93 : memref<128x128xf32, #tpu.memory_space<vmem>>) target(%dma_start3A_89 : memref<128x128xf32, #tpu.memory_space<hbm>>) target_semaphore(%run_scoped3A_82 : memref<!tpu.dma_semaphore, #tpu.memory_space<semaphore_mem>>)
      %dma_wait3A_94 = arith.constant 0 : i32
      %dma_wait3A_95 = arith.constant 0 : i32
      %dma_wait3A_96 = tpu.memref_slice %arg9[%run_scoped3A_81, %dma_wait3A_94, %dma_wait3A_95] : memref<2x128x128xf32, #tpu.memory_space<vmem>> -> memref<1x128x128xf32, #tpu.memory_space<vmem>>
      %dma_wait3A_97 = tpu.memref_squeeze %dma_wait3A_96 : memref<1x128x128xf32, #tpu.memory_space<vmem>> -> memref<128x128xf32, #tpu.memory_space<vmem>>
      %dma_wait3A_98 = arith.constant 0 : i32
      %dma_wait3A_99 = tpu.memref_slice %arg4[%mul3A_80, %dma_wait3A_98] : memref<524288x128xf32, #tpu.memory_space<hbm>> -> memref<128x128xf32, #tpu.memory_space<hbm>>
      %dma_wait3A_100 = arith.constant 0 : i32
      %dma_wait3A_101 = tpu.memref_slice %arg4[%mul3A_80, %dma_wait3A_100] : memref<524288x128xf32, #tpu.memory_space<hbm>> -> memref<128x128xf32, #tpu.memory_space<hbm>>
      %dma_wait3A_102 = arith.constant 0 : i32
      %dma_wait3A_103 = arith.constant 0 : i32
      %dma_wait3A_104 = tpu.memref_slice %arg9[%run_scoped3A_81, %dma_wait3A_102, %dma_wait3A_103] : memref<2x128x128xf32, #tpu.memory_space<vmem>> -> memref<1x128x128xf32, #tpu.memory_space<vmem>>
      %dma_wait3A_105 = tpu.memref_squeeze %dma_wait3A_104 : memref<1x128x128xf32, #tpu.memory_space<vmem>> -> memref<128x128xf32, #tpu.memory_space<vmem>>
      tpu.wait_dma2 semaphore(%run_scoped3A_82 : memref<!tpu.dma_semaphore, #tpu.memory_space<semaphore_mem>>) src(%dma_wait3A_105 : memref<128x128xf32, #tpu.memory_space<vmem>>) dst(%dma_wait3A_101 : memref<128x128xf32, #tpu.memory_space<hbm>>)
      tpu.yield
    }) : () -> ()
    return
  }
}

module attributes {stable_mosaic.version = 14 : i64} {
  func.func @_fps_body(%arg0: memref<8x4096xf32, #tpu.memory_space<vmem>>, %arg1: memref<8x4096xf32, #tpu.memory_space<vmem>>, %arg2: memref<8x4096xf32, #tpu.memory_space<vmem>>, %arg3: memref<8x1024xf32, #tpu.memory_space<vmem>>, %arg4: memref<8x1024xf32, #tpu.memory_space<vmem>>, %arg5: memref<8x1024xf32, #tpu.memory_space<vmem>>, %arg6: memref<8x4096xf32, #tpu.memory_space<vmem>>) attributes {dimension_semantics = [], scalar_prefetch = 0 : i64, scratch_operands = 1 : i64, tpu.core_type = #tpu.core_type<tc>} {
    %iota3A = tpu.iota {dimensions = array<i32: 1>} : vector<8x4096xi32>
    %broadcast_in_dim3A = arith.constant 1.000000e+10 : f32
    %broadcast_in_dim3A_0 = vector.broadcast %broadcast_in_dim3A : f32 to vector<8x4096xf32>
    %swap3A = arith.constant 0 : index
    %swap3A_1 = arith.constant 0 : index
    %swap3A_2 = vector.load %arg6[%swap3A, %swap3A_1] : memref<8x4096xf32, #tpu.memory_space<vmem>>, vector<8x4096xf32>
    tpu.vector_store %arg6[%swap3A, %swap3A_1], %broadcast_in_dim3A_0 {strides = array<i32>} : memref<8x4096xf32, #tpu.memory_space<vmem>>, vector<8x4096xf32>,
    %get3A = arith.constant 0 : index
    %get3A_3 = arith.constant 0 : index
    %get3A_4 = vector.load %arg0[%get3A, %get3A_3] : memref<8x4096xf32, #tpu.memory_space<vmem>>, vector<8x4096xf32>
    %get3A_5 = arith.constant 0 : index
    %get3A_6 = arith.constant 0 : index
    %get3A_7 = vector.load %arg1[%get3A_5, %get3A_6] : memref<8x4096xf32, #tpu.memory_space<vmem>>, vector<8x4096xf32>
    %get3A_8 = arith.constant 0 : index
    %get3A_9 = arith.constant 0 : index
    %get3A_10 = vector.load %arg2[%get3A_8, %get3A_9] : memref<8x4096xf32, #tpu.memory_space<vmem>>, vector<8x4096xf32>
    %iota3A_11 = tpu.iota {dimensions = array<i32: 1>} : vector<8x128xi32>
    %broadcast_in_dim3A_12 = arith.constant 0.000000e+00 : f32
    %broadcast_in_dim3A_13 = vector.broadcast %broadcast_in_dim3A_12 : f32 to vector<8x128xf32>
    %broadcast_in_dim3A_14 = arith.constant 0 : i32
    %broadcast_in_dim3A_15 = vector.broadcast %broadcast_in_dim3A_14 : i32 to vector<8x1xi32>
    %broadcast_in_dim3A_16 = arith.constant 1.000000e+10 : f32
    %broadcast_in_dim3A_17 = vector.broadcast %broadcast_in_dim3A_16 : f32 to vector<8x4096xf32>
    %scan3A = arith.constant 0 : i32
    %scan3A_18 = arith.constant 1024 : i32
    %scan3A_19 = arith.addi %scan3A, %scan3A_18 : i32
    %scan3A_20 = arith.constant 1 : i32
    %scan3A_21:5 = scf.for %scan3A_23 = %scan3A to %scan3A_19 step %scan3A_20 iter_args(%scan3A_24 = %broadcast_in_dim3A_15, %scan3A_25 = %broadcast_in_dim3A_17, %scan3A_26 = %broadcast_in_dim3A_13, %scan3A_27 = %broadcast_in_dim3A_13, %scan3A_28 = %broadcast_in_dim3A_13) -> (vector<8x1xi32>, vector<8x4096xf32>, vector<8x128xf32>, vector<8x128xf32>, vector<8x128xf32>)  : i32 {
      %eq3A = vector.broadcast %scan3A_24 : vector<8x1xi32> to vector<8x4096xi32>
      %eq3A_29 = arith.cmpi eq, %iota3A, %eq3A : vector<8x4096xi32>
      %jit3A = arith.constant 0.000000e+00 : f32
      %broadcast_in_dim3A_30 = vector.broadcast %jit3A : f32 to vector<8x4096xf32>
      %select_n3A = arith.select %eq3A_29, %get3A_4, %broadcast_in_dim3A_30 : vector<8x4096xi1>, vector<8x4096xf32>
      %reduce_sum3A = arith.constant dense<0.000000e+00> : vector<8xf32>
      %reduce_sum3A_31 = vector.multi_reduction <add>, %select_n3A, %reduce_sum3A [1] : vector<8x4096xf32> to vector<8xf32>
      %broadcast_in_dim3A_32 = vector.shape_cast %reduce_sum3A_31 : vector<8xf32> to vector<8x1xf32>
      %jit3A_33 = arith.constant 0.000000e+00 : f32
      %broadcast_in_dim3A_34 = vector.broadcast %jit3A_33 : f32 to vector<8x4096xf32>
      %select_n3A_35 = arith.select %eq3A_29, %get3A_7, %broadcast_in_dim3A_34 : vector<8x4096xi1>, vector<8x4096xf32>
      %reduce_sum3A_36 = arith.constant dense<0.000000e+00> : vector<8xf32>
      %reduce_sum3A_37 = vector.multi_reduction <add>, %select_n3A_35, %reduce_sum3A_36 [1] : vector<8x4096xf32> to vector<8xf32>
      %broadcast_in_dim3A_38 = vector.shape_cast %reduce_sum3A_37 : vector<8xf32> to vector<8x1xf32>
      %jit3A_39 = arith.constant 0.000000e+00 : f32
      %broadcast_in_dim3A_40 = vector.broadcast %jit3A_39 : f32 to vector<8x4096xf32>
      %select_n3A_41 = arith.select %eq3A_29, %get3A_10, %broadcast_in_dim3A_40 : vector<8x4096xi1>, vector<8x4096xf32>
      %reduce_sum3A_42 = arith.constant dense<0.000000e+00> : vector<8xf32>
      %reduce_sum3A_43 = vector.multi_reduction <add>, %select_n3A_41, %reduce_sum3A_42 [1] : vector<8x4096xf32> to vector<8xf32>
      %broadcast_in_dim3A_44 = vector.shape_cast %reduce_sum3A_43 : vector<8xf32> to vector<8x1xf32>
      %jit3A_45 = arith.constant 128 : i32
      %eq3A_46 = arith.constant 0 : i32
      %eq3A_47 = arith.cmpi eq, %jit3A_45, %eq3A_46 : i32
      %jit3A_48 = arith.constant 1 : i32
      %select_n3A_49 = arith.select %eq3A_47, %jit3A_48, %jit3A_45 : i32
      %rem3A = arith.remsi %scan3A_23, %select_n3A_49 : i32
      %ne3A = arith.constant 0 : i32
      %ne3A_50 = arith.cmpi ne, %rem3A, %ne3A : i32
      %lt3A = arith.constant 0 : i32
      %lt3A_51 = arith.cmpi slt, %rem3A, %lt3A : i32
      %lt3A_52 = arith.constant 0 : i32
      %lt3A_53 = arith.cmpi slt, %select_n3A_49, %lt3A_52 : i32
      %ne3A_54 = arith.xori %lt3A_51, %lt3A_53 : i1
      %and3A = arith.andi %ne3A_54, %ne3A_50 : i1
      %add3A = arith.addi %rem3A, %select_n3A_49 : i32
      %select_n3A_55 = arith.select %and3A, %add3A, %rem3A : i32
      %eq3A_56 = vector.broadcast %select_n3A_55 : i32 to vector<8x128xi32>
      %eq3A_57 = arith.cmpi eq, %iota3A_11, %eq3A_56 : vector<8x128xi32>
      %broadcast_in_dim3A_58 = vector.shape_cast %broadcast_in_dim3A_32 : vector<8x1xf32> to vector<8x1xf32>
      %broadcast_in_dim3A_59 = vector.broadcast %broadcast_in_dim3A_58 : vector<8x1xf32> to vector<8x128xf32>
      %select_n3A_60 = arith.select %eq3A_57, %broadcast_in_dim3A_59, %scan3A_26 : vector<8x128xi1>, vector<8x128xf32>
      %broadcast_in_dim3A_61 = vector.shape_cast %broadcast_in_dim3A_38 : vector<8x1xf32> to vector<8x1xf32>
      %broadcast_in_dim3A_62 = vector.broadcast %broadcast_in_dim3A_61 : vector<8x1xf32> to vector<8x128xf32>
      %select_n3A_63 = arith.select %eq3A_57, %broadcast_in_dim3A_62, %scan3A_27 : vector<8x128xi1>, vector<8x128xf32>
      %broadcast_in_dim3A_64 = vector.shape_cast %broadcast_in_dim3A_44 : vector<8x1xf32> to vector<8x1xf32>
      %broadcast_in_dim3A_65 = vector.broadcast %broadcast_in_dim3A_64 : vector<8x1xf32> to vector<8x128xf32>
      %select_n3A_66 = arith.select %eq3A_57, %broadcast_in_dim3A_65, %scan3A_28 : vector<8x128xi1>, vector<8x128xf32>
      %jit3A_67 = arith.constant 128 : i32
      %eq3A_68 = arith.constant 0 : i32
      %eq3A_69 = arith.cmpi eq, %jit3A_67, %eq3A_68 : i32
      %jit3A_70 = arith.constant 1 : i32
      %select_n3A_71 = arith.select %eq3A_69, %jit3A_70, %jit3A_67 : i32
      %rem3A_72 = arith.remsi %scan3A_23, %select_n3A_71 : i32
      %ne3A_73 = arith.constant 0 : i32
      %ne3A_74 = arith.cmpi ne, %rem3A_72, %ne3A_73 : i32
      %lt3A_75 = arith.constant 0 : i32
      %lt3A_76 = arith.cmpi slt, %rem3A_72, %lt3A_75 : i32
      %lt3A_77 = arith.constant 0 : i32
      %lt3A_78 = arith.cmpi slt, %select_n3A_71, %lt3A_77 : i32
      %ne3A_79 = arith.xori %lt3A_76, %lt3A_78 : i1
      %and3A_80 = arith.andi %ne3A_79, %ne3A_74 : i1
      %add3A_81 = arith.addi %rem3A_72, %select_n3A_71 : i32
      %select_n3A_82 = arith.select %and3A_80, %add3A_81, %rem3A_72 : i32
      %eq3A_83 = arith.constant 127 : i32
      %eq3A_84 = arith.cmpi eq, %select_n3A_82, %eq3A_83 : i32
      %convert_element_type3A = arith.extui %eq3A_84 : i1 to i32
      %cond3A = arith.constant 0 : i32
      %cond3A_85 = arith.cmpi ne, %convert_element_type3A, %cond3A : i32
      scf.if %cond3A_85 {
        %sub3A_104 = arith.constant 127 : i32
        %sub3A_105 = arith.subi %scan3A_23, %sub3A_104 : i32
        %multiple_of3A = tpu.assume_multiple %sub3A_105, 128 : i32
        %swap3A_106 = arith.constant 0 : index
        %swap3A_107 = arith.index_cast %multiple_of3A : i32 to index
        %swap3A_108 = vector.load %arg3[%swap3A_106, %swap3A_107] : memref<8x1024xf32, #tpu.memory_space<vmem>>, vector<8x128xf32>
        tpu.vector_store %arg3[%swap3A_106, %swap3A_107], %select_n3A_60 {strides = array<i32>} : memref<8x1024xf32, #tpu.memory_space<vmem>>, vector<8x128xf32>,
        %swap3A_109 = arith.constant 0 : index
        %swap3A_110 = arith.index_cast %multiple_of3A : i32 to index
        %swap3A_111 = vector.load %arg4[%swap3A_109, %swap3A_110] : memref<8x1024xf32, #tpu.memory_space<vmem>>, vector<8x128xf32>
        tpu.vector_store %arg4[%swap3A_109, %swap3A_110], %select_n3A_63 {strides = array<i32>} : memref<8x1024xf32, #tpu.memory_space<vmem>>, vector<8x128xf32>,
        %swap3A_112 = arith.constant 0 : index
        %swap3A_113 = arith.index_cast %multiple_of3A : i32 to index
        %swap3A_114 = vector.load %arg5[%swap3A_112, %swap3A_113] : memref<8x1024xf32, #tpu.memory_space<vmem>>, vector<8x128xf32>
        tpu.vector_store %arg5[%swap3A_112, %swap3A_113], %select_n3A_66 {strides = array<i32>} : memref<8x1024xf32, #tpu.memory_space<vmem>>, vector<8x128xf32>,
      } else {
      }
      %sub3A = vector.broadcast %broadcast_in_dim3A_32 : vector<8x1xf32> to vector<8x4096xf32>
      %sub3A_86 = arith.subf %get3A_4, %sub3A : vector<8x4096xf32>
      %sub3A_87 = vector.broadcast %broadcast_in_dim3A_38 : vector<8x1xf32> to vector<8x4096xf32>
      %sub3A_88 = arith.subf %get3A_7, %sub3A_87 : vector<8x4096xf32>
      %sub3A_89 = vector.broadcast %broadcast_in_dim3A_44 : vector<8x1xf32> to vector<8x4096xf32>
      %sub3A_90 = arith.subf %get3A_10, %sub3A_89 : vector<8x4096xf32>
      %mul3A = arith.mulf %sub3A_86, %sub3A_86 : vector<8x4096xf32>
      %mul3A_91 = arith.mulf %sub3A_88, %sub3A_88 : vector<8x4096xf32>
      %add3A_92 = arith.addf %mul3A, %mul3A_91 : vector<8x4096xf32>
      %mul3A_93 = arith.mulf %sub3A_90, %sub3A_90 : vector<8x4096xf32>
      %add3A_94 = arith.addf %add3A_92, %mul3A_93 : vector<8x4096xf32>
      %min3A = arith.minimumf %scan3A_25, %add3A_94 : vector<8x4096xf32>
      %reduce_max3A = arith.constant dense<0xFF800000> : vector<8xf32>
      %reduce_max3A_95 = vector.multi_reduction <maximumf>, %min3A, %reduce_max3A [1] : vector<8x4096xf32> to vector<8xf32>
      %broadcast_in_dim3A_96 = vector.shape_cast %reduce_max3A_95 : vector<8xf32> to vector<8x1xf32>
      %eq3A_97 = vector.broadcast %broadcast_in_dim3A_96 : vector<8x1xf32> to vector<8x4096xf32>
      %eq3A_98 = arith.cmpf oeq, %min3A, %eq3A_97 : vector<8x4096xf32>
      %jit3A_99 = arith.constant 4096 : i32
      %broadcast_in_dim3A_100 = vector.broadcast %jit3A_99 : i32 to vector<8x4096xi32>
      %select_n3A_101 = arith.select %eq3A_98, %iota3A, %broadcast_in_dim3A_100 : vector<8x4096xi1>, vector<8x4096xi32>
      %reduce_min3A = arith.constant dense<2147483647> : vector<8xi32>
      %reduce_min3A_102 = vector.multi_reduction <minsi>, %select_n3A_101, %reduce_min3A [1] : vector<8x4096xi32> to vector<8xi32>
      %broadcast_in_dim3A_103 = vector.shape_cast %reduce_min3A_102 : vector<8xi32> to vector<8x1xi32>
      scf.yield %broadcast_in_dim3A_103, %min3A, %select_n3A_60, %select_n3A_63, %select_n3A_66 : vector<8x1xi32>, vector<8x4096xf32>, vector<8x128xf32>, vector<8x128xf32>, vector<8x128xf32>
    }
    %scan3A_22 = arith.constant 1024 : i32
    return
  }
}

module attributes {stable_mosaic.version = 14 : i64} {
  func.func @_bq_body(%arg0: i32, %arg1: memref<256x1xf32, #tpu.memory_space<vmem>>, %arg2: memref<256x1xf32, #tpu.memory_space<vmem>>, %arg3: memref<256x1xf32, #tpu.memory_space<vmem>>, %arg4: memref<1x1x4096xf32, #tpu.memory_space<vmem>>, %arg5: memref<1x1x4096xf32, #tpu.memory_space<vmem>>, %arg6: memref<1x1x4096xf32, #tpu.memory_space<vmem>>, %arg7: memref<4096x256xbf16, #tpu.memory_space<vmem>>, %arg8: memref<256x256xf32, #tpu.memory_space<vmem>>) attributes {dimension_semantics = [#tpu.dimension_semantics<arbitrary>], iteration_bounds = array<i64: 32>, scalar_prefetch = 0 : i64, scratch_operands = 0 : i64, tpu.core_type = #tpu.core_type<tc>, window_params = [{transform_indices = @transform_0, window_bounds = array<i64: 256, 1>}, {transform_indices = @transform_1, window_bounds = array<i64: 256, 1>}, {transform_indices = @transform_2, window_bounds = array<i64: 256, 1>}, {transform_indices = @transform_3, window_bounds = array<i64: 1, 1, 4096>}, {transform_indices = @transform_4, window_bounds = array<i64: 1, 1, 4096>}, {transform_indices = @transform_5, window_bounds = array<i64: 1, 1, 4096>}, {pipeline_mode = #tpu.pipeline_mode<synchronous>, transform_indices = @transform_6, window_bounds = array<i64: 4096, 256>}, {transform_indices = @transform_7, window_bounds = array<i64: 256, 256>}]} {
    %get3A = arith.constant 0 : index
    %get3A_0 = arith.constant 0 : index
    %get3A_1 = vector.load %arg1[%get3A, %get3A_0] : memref<256x1xf32, #tpu.memory_space<vmem>>, vector<256x1xf32>
    %get3A_2 = arith.constant 0 : index
    %get3A_3 = arith.constant 0 : index
    %get3A_4 = vector.load %arg2[%get3A_2, %get3A_3] : memref<256x1xf32, #tpu.memory_space<vmem>>, vector<256x1xf32>
    %get3A_5 = arith.constant 0 : index
    %get3A_6 = arith.constant 0 : index
    %get3A_7 = vector.load %arg3[%get3A_5, %get3A_6] : memref<256x1xf32, #tpu.memory_space<vmem>>, vector<256x1xf32>
    %get3A_8 = arith.constant 0 : index
    %get3A_9 = arith.constant 0 : index
    %get3A_10 = arith.constant 0 : index
    %get3A_11 = vector.load %arg4[%get3A_8, %get3A_9, %get3A_10] : memref<1x1x4096xf32, #tpu.memory_space<vmem>>, vector<1x1x4096xf32>
    %get3A_12 = vector.shape_cast %get3A_11 : vector<1x1x4096xf32> to vector<1x4096xf32>
    %get3A_13 = arith.constant 0 : index
    %get3A_14 = arith.constant 0 : index
    %get3A_15 = arith.constant 0 : index
    %get3A_16 = vector.load %arg5[%get3A_13, %get3A_14, %get3A_15] : memref<1x1x4096xf32, #tpu.memory_space<vmem>>, vector<1x1x4096xf32>
    %get3A_17 = vector.shape_cast %get3A_16 : vector<1x1x4096xf32> to vector<1x4096xf32>
    %get3A_18 = arith.constant 0 : index
    %get3A_19 = arith.constant 0 : index
    %get3A_20 = arith.constant 0 : index
    %get3A_21 = vector.load %arg6[%get3A_18, %get3A_19, %get3A_20] : memref<1x1x4096xf32, #tpu.memory_space<vmem>>, vector<1x1x4096xf32>
    %get3A_22 = vector.shape_cast %get3A_21 : vector<1x1x4096xf32> to vector<1x4096xf32>
    %mul3A = arith.mulf %get3A_1, %get3A_1 : vector<256x1xf32>
    %mul3A_23 = arith.mulf %get3A_4, %get3A_4 : vector<256x1xf32>
    %add3A = arith.addf %mul3A, %mul3A_23 : vector<256x1xf32>
    %mul3A_24 = arith.mulf %get3A_7, %get3A_7 : vector<256x1xf32>
    %add3A_25 = arith.addf %add3A, %mul3A_24 : vector<256x1xf32>
    %mul3A_26 = arith.mulf %get3A_12, %get3A_12 : vector<1x4096xf32>
    %mul3A_27 = arith.mulf %get3A_17, %get3A_17 : vector<1x4096xf32>
    %add3A_28 = arith.addf %mul3A_26, %mul3A_27 : vector<1x4096xf32>
    %mul3A_29 = arith.mulf %get3A_22, %get3A_22 : vector<1x4096xf32>
    %add3A_30 = arith.addf %add3A_28, %mul3A_29 : vector<1x4096xf32>
    %convert_element_type3A = arith.truncf %get3A_1 : vector<256x1xf32> to vector<256x1xbf16>
    %convert_element_type3A_31 = arith.extf %convert_element_type3A : vector<256x1xbf16> to vector<256x1xf32>
    %convert_element_type3A_32 = arith.truncf %get3A_4 : vector<256x1xf32> to vector<256x1xbf16>
    %convert_element_type3A_33 = arith.extf %convert_element_type3A_32 : vector<256x1xbf16> to vector<256x1xf32>
    %convert_element_type3A_34 = arith.truncf %get3A_7 : vector<256x1xf32> to vector<256x1xbf16>
    %convert_element_type3A_35 = arith.extf %convert_element_type3A_34 : vector<256x1xbf16> to vector<256x1xf32>
    %convert_element_type3A_36 = arith.truncf %get3A_12 : vector<1x4096xf32> to vector<1x4096xbf16>
    %convert_element_type3A_37 = arith.extf %convert_element_type3A_36 : vector<1x4096xbf16> to vector<1x4096xf32>
    %convert_element_type3A_38 = arith.truncf %get3A_17 : vector<1x4096xf32> to vector<1x4096xbf16>
    %convert_element_type3A_39 = arith.extf %convert_element_type3A_38 : vector<1x4096xbf16> to vector<1x4096xf32>
    %convert_element_type3A_40 = arith.truncf %get3A_22 : vector<1x4096xf32> to vector<1x4096xbf16>
    %convert_element_type3A_41 = arith.extf %convert_element_type3A_40 : vector<1x4096xbf16> to vector<1x4096xf32>
    %mul3A_42 = vector.broadcast %convert_element_type3A_31 : vector<256x1xf32> to vector<256x4096xf32>
    %mul3A_43 = vector.broadcast %convert_element_type3A_37 : vector<1x4096xf32> to vector<256x4096xf32>
    %mul3A_44 = arith.mulf %mul3A_42, %mul3A_43 : vector<256x4096xf32>
    %mul3A_45 = vector.broadcast %convert_element_type3A_33 : vector<256x1xf32> to vector<256x4096xf32>
    %mul3A_46 = vector.broadcast %convert_element_type3A_39 : vector<1x4096xf32> to vector<256x4096xf32>
    %mul3A_47 = arith.mulf %mul3A_45, %mul3A_46 : vector<256x4096xf32>
    %add3A_48 = arith.addf %mul3A_44, %mul3A_47 : vector<256x4096xf32>
    %mul3A_49 = vector.broadcast %convert_element_type3A_35 : vector<256x1xf32> to vector<256x4096xf32>
    %mul3A_50 = vector.broadcast %convert_element_type3A_41 : vector<1x4096xf32> to vector<256x4096xf32>
    %mul3A_51 = arith.mulf %mul3A_49, %mul3A_50 : vector<256x4096xf32>
    %add3A_52 = arith.addf %add3A_48, %mul3A_51 : vector<256x4096xf32>
    %add3A_53 = vector.broadcast %add3A_25 : vector<256x1xf32> to vector<256x4096xf32>
    %add3A_54 = vector.broadcast %add3A_30 : vector<1x4096xf32> to vector<256x4096xf32>
    %add3A_55 = arith.addf %add3A_53, %add3A_54 : vector<256x4096xf32>
    %mul3A_56 = arith.constant 2.000000e+00 : f32
    %mul3A_57 = vector.broadcast %mul3A_56 : f32 to vector<256x4096xf32>
    %mul3A_58 = arith.mulf %mul3A_57, %add3A_52 : vector<256x4096xf32>
    %sub3A = arith.subf %add3A_55, %mul3A_58 : vector<256x4096xf32>
    %gt3A = arith.constant 4.000000e-02 : f32
    %gt3A_59 = vector.broadcast %gt3A : f32 to vector<256x4096xf32>
    %gt3A_60 = arith.cmpf ogt, %sub3A, %gt3A_59 : vector<256x4096xf32>
    %jit3A = arith.constant 0.000000e+00 : f32
    %jit3A_61 = arith.constant 1.000000e+00 : f32
    %broadcast_in_dim3A = vector.broadcast %jit3A : f32 to vector<256x4096xf32>
    %broadcast_in_dim3A_62 = vector.broadcast %jit3A_61 : f32 to vector<256x4096xf32>
    %select_n3A = arith.select %gt3A_60, %broadcast_in_dim3A, %broadcast_in_dim3A_62 : vector<256x4096xi1>, vector<256x4096xf32>
    %convert_element_type3A_63 = arith.truncf %select_n3A : vector<256x4096xf32> to vector<256x4096xbf16>
    %get3A_64 = arith.constant 0 : index
    %get3A_65 = arith.constant 0 : index
    %get3A_66 = vector.load %arg7[%get3A_64, %get3A_65] : memref<4096x256xbf16, #tpu.memory_space<vmem>>, vector<4096x256xbf16>
    %dot_general3A = arith.constant dense<0.000000e+00> : vector<256x256xf32>
    %dot_general3A_67 = tpu.matmul %convert_element_type3A_63, %get3A_66, %dot_general3A {dimension_numbers = #tpu.dot_dimension_numbers<[1], [0], [0], [1], [0, 0, 1, 1], [], []>, transpose_lhs_hint = false} : vector<256x4096xbf16>, vector<4096x256xbf16>, vector<256x256xf32> -> vector<256x256xf32>
    %swap3A = arith.constant 0 : index
    %swap3A_68 = arith.constant 0 : index
    %swap3A_69 = vector.load %arg8[%swap3A, %swap3A_68] : memref<256x256xf32, #tpu.memory_space<vmem>>, vector<256x256xf32>
    tpu.vector_store %arg8[%swap3A, %swap3A_68], %dot_general3A_67 {strides = array<i32>} : memref<256x256xf32, #tpu.memory_space<vmem>>, vector<256x256xf32>,
    return
  }
  func.func @transform_0(%arg0: i32) -> (i32, i32) {
    %c0_i32 = arith.constant 0 : i32
    %c0_i32_0 = arith.constant 0 : i32
    return %arg0, %c0_i32 : i32, i32
  }
  func.func @transform_1(%arg0: i32) -> (i32, i32) {
    %c0_i32 = arith.constant 0 : i32
    %c0_i32_0 = arith.constant 0 : i32
    return %arg0, %c0_i32 : i32, i32
  }
  func.func @transform_2(%arg0: i32) -> (i32, i32) {
    %c0_i32 = arith.constant 0 : i32
    %c0_i32_0 = arith.constant 0 : i32
    return %arg0, %c0_i32 : i32, i32
  }
  func.func @transform_3(%arg0: i32) -> (i32, i32, i32) {
    %jit3A = arith.constant 4 : i32
    %div3A = arith.divsi %arg0, %jit3A : i32
    %sign3A = arith.constant 0 : i32
    %sign3A_0 = arith.cmpi sgt, %arg0, %sign3A : i32
    %sign3A_1 = arith.extui %sign3A_0 : i1 to i32
    %sign3A_2 = arith.constant 0 : i32
    %sign3A_3 = arith.cmpi slt, %arg0, %sign3A_2 : i32
    %sign3A_4 = arith.extui %sign3A_3 : i1 to i32
    %sign3A_5 = arith.subi %sign3A_1, %sign3A_4 : i32
    %sign3A_6 = arith.constant 0 : i32
    %sign3A_7 = arith.cmpi sgt, %jit3A, %sign3A_6 : i32
    %sign3A_8 = arith.extui %sign3A_7 : i1 to i32
    %sign3A_9 = arith.constant 0 : i32
    %sign3A_10 = arith.cmpi slt, %jit3A, %sign3A_9 : i32
    %sign3A_11 = arith.extui %sign3A_10 : i1 to i32
    %sign3A_12 = arith.subi %sign3A_8, %sign3A_11 : i32
    %ne3A = arith.cmpi ne, %sign3A_5, %sign3A_12 : i32
    %rem3A = arith.remsi %arg0, %jit3A : i32
    %ne3A_13 = arith.constant 0 : i32
    %ne3A_14 = arith.cmpi ne, %rem3A, %ne3A_13 : i32
    %and3A = arith.andi %ne3A, %ne3A_14 : i1
    %sub3A = arith.constant 1 : i32
    %sub3A_15 = arith.subi %div3A, %sub3A : i32
    %select_n3A = arith.select %and3A, %sub3A_15, %div3A : i32
    %c0_i32 = arith.constant 0 : i32
    %c0_i32_16 = arith.constant 0 : i32
    %c0_i32_17 = arith.constant 0 : i32
    return %select_n3A, %c0_i32, %c0_i32_16 : i32, i32, i32
  }
  func.func @transform_4(%arg0: i32) -> (i32, i32, i32) {
    %jit3A = arith.constant 4 : i32
    %div3A = arith.divsi %arg0, %jit3A : i32
    %sign3A = arith.constant 0 : i32
    %sign3A_0 = arith.cmpi sgt, %arg0, %sign3A : i32
    %sign3A_1 = arith.extui %sign3A_0 : i1 to i32
    %sign3A_2 = arith.constant 0 : i32
    %sign3A_3 = arith.cmpi slt, %arg0, %sign3A_2 : i32
    %sign3A_4 = arith.extui %sign3A_3 : i1 to i32
    %sign3A_5 = arith.subi %sign3A_1, %sign3A_4 : i32
    %sign3A_6 = arith.constant 0 : i32
    %sign3A_7 = arith.cmpi sgt, %jit3A, %sign3A_6 : i32
    %sign3A_8 = arith.extui %sign3A_7 : i1 to i32
    %sign3A_9 = arith.constant 0 : i32
    %sign3A_10 = arith.cmpi slt, %jit3A, %sign3A_9 : i32
    %sign3A_11 = arith.extui %sign3A_10 : i1 to i32
    %sign3A_12 = arith.subi %sign3A_8, %sign3A_11 : i32
    %ne3A = arith.cmpi ne, %sign3A_5, %sign3A_12 : i32
    %rem3A = arith.remsi %arg0, %jit3A : i32
    %ne3A_13 = arith.constant 0 : i32
    %ne3A_14 = arith.cmpi ne, %rem3A, %ne3A_13 : i32
    %and3A = arith.andi %ne3A, %ne3A_14 : i1
    %sub3A = arith.constant 1 : i32
    %sub3A_15 = arith.subi %div3A, %sub3A : i32
    %select_n3A = arith.select %and3A, %sub3A_15, %div3A : i32
    %c0_i32 = arith.constant 0 : i32
    %c0_i32_16 = arith.constant 0 : i32
    %c0_i32_17 = arith.constant 0 : i32
    return %select_n3A, %c0_i32, %c0_i32_16 : i32, i32, i32
  }
  func.func @transform_5(%arg0: i32) -> (i32, i32, i32) {
    %jit3A = arith.constant 4 : i32
    %div3A = arith.divsi %arg0, %jit3A : i32
    %sign3A = arith.constant 0 : i32
    %sign3A_0 = arith.cmpi sgt, %arg0, %sign3A : i32
    %sign3A_1 = arith.extui %sign3A_0 : i1 to i32
    %sign3A_2 = arith.constant 0 : i32
    %sign3A_3 = arith.cmpi slt, %arg0, %sign3A_2 : i32
    %sign3A_4 = arith.extui %sign3A_3 : i1 to i32
    %sign3A_5 = arith.subi %sign3A_1, %sign3A_4 : i32
    %sign3A_6 = arith.constant 0 : i32
    %sign3A_7 = arith.cmpi sgt, %jit3A, %sign3A_6 : i32
    %sign3A_8 = arith.extui %sign3A_7 : i1 to i32
    %sign3A_9 = arith.constant 0 : i32
    %sign3A_10 = arith.cmpi slt, %jit3A, %sign3A_9 : i32
    %sign3A_11 = arith.extui %sign3A_10 : i1 to i32
    %sign3A_12 = arith.subi %sign3A_8, %sign3A_11 : i32
    %ne3A = arith.cmpi ne, %sign3A_5, %sign3A_12 : i32
    %rem3A = arith.remsi %arg0, %jit3A : i32
    %ne3A_13 = arith.constant 0 : i32
    %ne3A_14 = arith.cmpi ne, %rem3A, %ne3A_13 : i32
    %and3A = arith.andi %ne3A, %ne3A_14 : i1
    %sub3A = arith.constant 1 : i32
    %sub3A_15 = arith.subi %div3A, %sub3A : i32
    %select_n3A = arith.select %and3A, %sub3A_15, %div3A : i32
    %c0_i32 = arith.constant 0 : i32
    %c0_i32_16 = arith.constant 0 : i32
    %c0_i32_17 = arith.constant 0 : i32
    return %select_n3A, %c0_i32, %c0_i32_16 : i32, i32, i32
  }
  func.func @transform_6(%arg0: i32) -> (i32, i32) {
    %c0_i32 = arith.constant 0 : i32
    %c0_i32_0 = arith.constant 0 : i32
    %c0_i32_1 = arith.constant 0 : i32
    return %c0_i32, %c0_i32_0 : i32, i32
  }
  func.func @transform_7(%arg0: i32) -> (i32, i32) {
    %c0_i32 = arith.constant 0 : i32
    %c0_i32_0 = arith.constant 0 : i32
    return %arg0, %c0_i32 : i32, i32
  }
}

module attributes {stable_mosaic.version = 14 : i64} {
  func.func @_g1_body(%arg0: i32, %arg1: memref<1x4096x131xf32, #tpu.memory_space<vmem>>, %arg2: memref<1x1024x3xf32, #tpu.memory_space<vmem>>, %arg3: memref<131x128xf32, #tpu.memory_space<vmem>>, %arg4: memref<1x128xf32, #tpu.memory_space<vmem>>, %arg5: memref<1x4096x128xf32, #tpu.memory_space<vmem>>, %arg6: memref<1x1024x128xf32, #tpu.memory_space<vmem>>) attributes {dimension_semantics = [#tpu.dimension_semantics<arbitrary>], iteration_bounds = array<i64: 8>, scalar_prefetch = 0 : i64, scratch_operands = 0 : i64, tpu.core_type = #tpu.core_type<tc>, window_params = [{transform_indices = @transform_0, window_bounds = array<i64: 1, 4096, 131>}, {transform_indices = @transform_1, window_bounds = array<i64: 1, 1024, 3>}, {pipeline_mode = #tpu.pipeline_mode<synchronous>, transform_indices = @transform_2, window_bounds = array<i64: 131, 128>}, {pipeline_mode = #tpu.pipeline_mode<synchronous>, transform_indices = @transform_3, window_bounds = array<i64: 1, 128>}, {transform_indices = @transform_4, window_bounds = array<i64: 1, 4096, 128>}, {transform_indices = @transform_5, window_bounds = array<i64: 1, 1024, 128>}]} {
    %get3A = arith.constant 0 : index
    %get3A_0 = arith.constant 0 : index
    %get3A_1 = vector.load %arg3[%get3A, %get3A_0] : memref<131x128xf32, #tpu.memory_space<vmem>>, vector<131x128xf32>
    %convert_element_type3A = arith.truncf %get3A_1 : vector<131x128xf32> to vector<131x128xbf16>
    %get3A_2 = arith.constant 0 : index
    %get3A_3 = arith.constant 0 : index
    %get3A_4 = arith.constant 0 : index
    %get3A_5 = vector.load %arg1[%get3A_2, %get3A_3, %get3A_4] : memref<1x4096x131xf32, #tpu.memory_space<vmem>>, vector<1x4096x131xf32>
    %get3A_6 = vector.shape_cast %get3A_5 : vector<1x4096x131xf32> to vector<4096x131xf32>
    %convert_element_type3A_7 = arith.truncf %get3A_6 : vector<4096x131xf32> to vector<4096x131xbf16>
    %dot_general3A = arith.constant dense<0.000000e+00> : vector<4096x128xf32>
    %dot_general3A_8 = tpu.matmul %convert_element_type3A_7, %convert_element_type3A, %dot_general3A {dimension_numbers = #tpu.dot_dimension_numbers<[1], [0], [0], [1], [0, 0, 1, 1], [], []>, transpose_lhs_hint = false} : vector<4096x131xbf16>, vector<131x128xbf16>, vector<4096x128xf32> -> vector<4096x128xf32>
    %get3A_9 = arith.constant 0 : index
    %get3A_10 = arith.constant 0 : index
    %get3A_11 = vector.load %arg4[%get3A_9, %get3A_10] : memref<1x128xf32, #tpu.memory_space<vmem>>, vector<1x128xf32>
    %add3A = vector.broadcast %get3A_11 : vector<1x128xf32> to vector<4096x128xf32>
    %add3A_12 = arith.addf %dot_general3A_8, %add3A : vector<4096x128xf32>
    %swap3A = arith.constant 0 : index
    %swap3A_13 = arith.constant 0 : index
    %swap3A_14 = arith.constant 0 : index
    %swap3A_15 = vector.load %arg5[%swap3A, %swap3A_13, %swap3A_14] : memref<1x4096x128xf32, #tpu.memory_space<vmem>>, vector<1x4096x128xf32>
    %swap3A_16 = vector.shape_cast %swap3A_15 : vector<1x4096x128xf32> to vector<4096x128xf32>
    %swap3A_17 = vector.shape_cast %add3A_12 : vector<4096x128xf32> to vector<1x4096x128xf32>
    tpu.vector_store %arg5[%swap3A, %swap3A_13, %swap3A_14], %swap3A_17 {strides = array<i32>} : memref<1x4096x128xf32, #tpu.memory_space<vmem>>, vector<1x4096x128xf32>,
    %get3A_18 = arith.constant 0 : index
    %get3A_19 = arith.constant 0 : index
    %get3A_20 = arith.constant 0 : index
    %get3A_21 = vector.load %arg2[%get3A_18, %get3A_19, %get3A_20] : memref<1x1024x3xf32, #tpu.memory_space<vmem>>, vector<1x1024x3xf32>
    %get3A_22 = vector.shape_cast %get3A_21 : vector<1x1024x3xf32> to vector<1024x3xf32>
    %convert_element_type3A_23 = arith.truncf %get3A_22 : vector<1024x3xf32> to vector<1024x3xbf16>
    %slice3A = vector.extract_strided_slice %convert_element_type3A {offsets = [0, 0], sizes = [3, 128], strides = [1, 1]} : vector<131x128xbf16> to vector<3x128xbf16>
    %dot_general3A_24 = arith.constant dense<0.000000e+00> : vector<1024x128xf32>
    %dot_general3A_25 = tpu.matmul %convert_element_type3A_23, %slice3A, %dot_general3A_24 {dimension_numbers = #tpu.dot_dimension_numbers<[1], [0], [0], [1], [0, 0, 1, 1], [], []>, transpose_lhs_hint = false} : vector<1024x3xbf16>, vector<3x128xbf16>, vector<1024x128xf32> -> vector<1024x128xf32>
    %swap3A_26 = arith.constant 0 : index
    %swap3A_27 = arith.constant 0 : index
    %swap3A_28 = arith.constant 0 : index
    %swap3A_29 = vector.load %arg6[%swap3A_26, %swap3A_27, %swap3A_28] : memref<1x1024x128xf32, #tpu.memory_space<vmem>>, vector<1x1024x128xf32>
    %swap3A_30 = vector.shape_cast %swap3A_29 : vector<1x1024x128xf32> to vector<1024x128xf32>
    %swap3A_31 = vector.shape_cast %dot_general3A_25 : vector<1024x128xf32> to vector<1x1024x128xf32>
    tpu.vector_store %arg6[%swap3A_26, %swap3A_27, %swap3A_28], %swap3A_31 {strides = array<i32>} : memref<1x1024x128xf32, #tpu.memory_space<vmem>>, vector<1x1024x128xf32>,
    return
  }
  func.func @transform_0(%arg0: i32) -> (i32, i32, i32) {
    %c0_i32 = arith.constant 0 : i32
    %c0_i32_0 = arith.constant 0 : i32
    %c0_i32_1 = arith.constant 0 : i32
    return %arg0, %c0_i32, %c0_i32_0 : i32, i32, i32
  }
  func.func @transform_1(%arg0: i32) -> (i32, i32, i32) {
    %c0_i32 = arith.constant 0 : i32
    %c0_i32_0 = arith.constant 0 : i32
    %c0_i32_1 = arith.constant 0 : i32
    return %arg0, %c0_i32, %c0_i32_0 : i32, i32, i32
  }
  func.func @transform_2(%arg0: i32) -> (i32, i32) {
    %c0_i32 = arith.constant 0 : i32
    %c0_i32_0 = arith.constant 0 : i32
    %c0_i32_1 = arith.constant 0 : i32
    return %c0_i32, %c0_i32_0 : i32, i32
  }
  func.func @transform_3(%arg0: i32) -> (i32, i32) {
    %c0_i32 = arith.constant 0 : i32
    %c0_i32_0 = arith.constant 0 : i32
    %c0_i32_1 = arith.constant 0 : i32
    return %c0_i32, %c0_i32_0 : i32, i32
  }
  func.func @transform_4(%arg0: i32) -> (i32, i32, i32) {
    %c0_i32 = arith.constant 0 : i32
    %c0_i32_0 = arith.constant 0 : i32
    %c0_i32_1 = arith.constant 0 : i32
    return %arg0, %c0_i32, %c0_i32_0 : i32, i32, i32
  }
  func.func @transform_5(%arg0: i32) -> (i32, i32, i32) {
    %c0_i32 = arith.constant 0 : i32
    %c0_i32_0 = arith.constant 0 : i32
    %c0_i32_1 = arith.constant 0 : i32
    return %arg0, %c0_i32, %c0_i32_0 : i32, i32, i32
  }
}

module attributes {stable_mosaic.version = 14 : i64} {
  func.func @_p1_body(%arg0: i32, %arg1: memref<2048x128xf32, #tpu.memory_space<vmem>>, %arg2: memref<32x128xf32, #tpu.memory_space<vmem>>, %arg3: memref<1x128xf32, #tpu.memory_space<vmem>>, %arg4: memref<1x128xf32, #tpu.memory_space<vmem>>, %arg5: memref<1x128xf32, #tpu.memory_space<vmem>>, %arg6: memref<1x128xf32, #tpu.memory_space<vmem>>) attributes {dimension_semantics = [#tpu.dimension_semantics<arbitrary>], iteration_bounds = array<i64: 256>, scalar_prefetch = 0 : i64, scratch_operands = 2 : i64, tpu.core_type = #tpu.core_type<tc>, window_params = [{transform_indices = @transform_0, window_bounds = array<i64: 2048, 128>}, {transform_indices = @transform_1, window_bounds = array<i64: 32, 128>}, {pipeline_mode = #tpu.pipeline_mode<synchronous>, transform_indices = @transform_2, window_bounds = array<i64: 1, 128>}, {pipeline_mode = #tpu.pipeline_mode<synchronous>, transform_indices = @transform_3, window_bounds = array<i64: 1, 128>}]} {
    %eq3A = arith.constant 0 : i32
    %eq3A_0 = arith.cmpi eq, %arg0, %eq3A : i32
    %convert_element_type3A = arith.extui %eq3A_0 : i1 to i32
    %cond3A = arith.constant 0 : i32
    %cond3A_1 = arith.cmpi ne, %convert_element_type3A, %cond3A : i32
    scf.if %cond3A_1 {
      %broadcast_in_dim3A_30 = arith.constant 0.000000e+00 : f32
      %broadcast_in_dim3A_31 = vector.broadcast %broadcast_in_dim3A_30 : f32 to vector<1x128xf32>
      %swap3A_32 = arith.constant 0 : index
      %swap3A_33 = arith.constant 0 : index
      %swap3A_34 = vector.load %arg5[%swap3A_32, %swap3A_33] : memref<1x128xf32, #tpu.memory_space<vmem>>, vector<1x128xf32>
      tpu.vector_store %arg5[%swap3A_32, %swap3A_33], %broadcast_in_dim3A_31 {strides = array<i32>} : memref<1x128xf32, #tpu.memory_space<vmem>>, vector<1x128xf32>,
      %broadcast_in_dim3A_35 = arith.constant 0.000000e+00 : f32
      %broadcast_in_dim3A_36 = vector.broadcast %broadcast_in_dim3A_35 : f32 to vector<1x128xf32>
      %swap3A_37 = arith.constant 0 : index
      %swap3A_38 = arith.constant 0 : index
      %swap3A_39 = vector.load %arg6[%swap3A_37, %swap3A_38] : memref<1x128xf32, #tpu.memory_space<vmem>>, vector<1x128xf32>
      tpu.vector_store %arg6[%swap3A_37, %swap3A_38], %broadcast_in_dim3A_36 {strides = array<i32>} : memref<1x128xf32, #tpu.memory_space<vmem>>, vector<1x128xf32>,
    } else {
    }
    %get3A = arith.constant 0 : index
    %get3A_2 = arith.constant 0 : index
    %get3A_3 = vector.load %arg1[%get3A, %get3A_2] : memref<2048x128xf32, #tpu.memory_space<vmem>>, vector<2048x128xf32>
    %get3A_4 = arith.constant 0 : index
    %get3A_5 = arith.constant 0 : index
    %get3A_6 = vector.load %arg2[%get3A_4, %get3A_5] : memref<32x128xf32, #tpu.memory_space<vmem>>, vector<32x128xf32>
    %reshape3A = vector.shape_cast %get3A_3 : vector<2048x128xf32> to vector<32x64x128xf32>
    %broadcast_in_dim3A = vector.shape_cast %get3A_6 : vector<32x128xf32> to vector<32x1x128xf32>
    %sub3A = vector.broadcast %broadcast_in_dim3A : vector<32x1x128xf32> to vector<32x64x128xf32>
    %sub3A_7 = arith.subf %reshape3A, %sub3A : vector<32x64x128xf32>
    %get3A_8 = arith.constant 0 : index
    %get3A_9 = arith.constant 0 : index
    %get3A_10 = vector.load %arg5[%get3A_8, %get3A_9] : memref<1x128xf32, #tpu.memory_space<vmem>>, vector<1x128xf32>
    %reduce_sum3A = arith.constant dense<0.000000e+00> : vector<128xf32>
    %reduce_sum3A_11 = vector.multi_reduction <add>, %sub3A_7, %reduce_sum3A [0, 1] : vector<32x64x128xf32> to vector<128xf32>
    %broadcast_in_dim3A_12 = vector.shape_cast %reduce_sum3A_11 : vector<128xf32> to vector<1x128xf32>
    %add3A = arith.addf %get3A_10, %broadcast_in_dim3A_12 : vector<1x128xf32>
    %swap3A = arith.constant 0 : index
    %swap3A_13 = arith.constant 0 : index
    %swap3A_14 = vector.load %arg5[%swap3A, %swap3A_13] : memref<1x128xf32, #tpu.memory_space<vmem>>, vector<1x128xf32>
    tpu.vector_store %arg5[%swap3A, %swap3A_13], %add3A {strides = array<i32>} : memref<1x128xf32, #tpu.memory_space<vmem>>, vector<1x128xf32>,
    %get3A_15 = arith.constant 0 : index
    %get3A_16 = arith.constant 0 : index
    %get3A_17 = vector.load %arg6[%get3A_15, %get3A_16] : memref<1x128xf32, #tpu.memory_space<vmem>>, vector<1x128xf32>
    %mul3A = arith.mulf %sub3A_7, %sub3A_7 : vector<32x64x128xf32>
    %reduce_sum3A_18 = arith.constant dense<0.000000e+00> : vector<128xf32>
    %reduce_sum3A_19 = vector.multi_reduction <add>, %mul3A, %reduce_sum3A_18 [0, 1] : vector<32x64x128xf32> to vector<128xf32>
    %broadcast_in_dim3A_20 = vector.shape_cast %reduce_sum3A_19 : vector<128xf32> to vector<1x128xf32>
    %add3A_21 = arith.addf %get3A_17, %broadcast_in_dim3A_20 : vector<1x128xf32>
    %swap3A_22 = arith.constant 0 : index
    %swap3A_23 = arith.constant 0 : index
    %swap3A_24 = vector.load %arg6[%swap3A_22, %swap3A_23] : memref<1x128xf32, #tpu.memory_space<vmem>>, vector<1x128xf32>
    tpu.vector_store %arg6[%swap3A_22, %swap3A_23], %add3A_21 {strides = array<i32>} : memref<1x128xf32, #tpu.memory_space<vmem>>, vector<1x128xf32>,
    %eq3A_25 = arith.constant 255 : i32
    %eq3A_26 = arith.cmpi eq, %arg0, %eq3A_25 : i32
    %convert_element_type3A_27 = arith.extui %eq3A_26 : i1 to i32
    %cond3A_28 = arith.constant 0 : i32
    %cond3A_29 = arith.cmpi ne, %convert_element_type3A_27, %cond3A_28 : i32
    scf.if %cond3A_29 {
      %get3A_30 = arith.constant 0 : index
      %get3A_31 = arith.constant 0 : index
      %get3A_32 = vector.load %arg5[%get3A_30, %get3A_31] : memref<1x128xf32, #tpu.memory_space<vmem>>, vector<1x128xf32>
      %swap3A_33 = arith.constant 0 : index
      %swap3A_34 = arith.constant 0 : index
      %swap3A_35 = vector.load %arg3[%swap3A_33, %swap3A_34] : memref<1x128xf32, #tpu.memory_space<vmem>>, vector<1x128xf32>
      tpu.vector_store %arg3[%swap3A_33, %swap3A_34], %get3A_32 {strides = array<i32>} : memref<1x128xf32, #tpu.memory_space<vmem>>, vector<1x128xf32>,
      %get3A_36 = arith.constant 0 : index
      %get3A_37 = arith.constant 0 : index
      %get3A_38 = vector.load %arg6[%get3A_36, %get3A_37] : memref<1x128xf32, #tpu.memory_space<vmem>>, vector<1x128xf32>
      %swap3A_39 = arith.constant 0 : index
      %swap3A_40 = arith.constant 0 : index
      %swap3A_41 = vector.load %arg4[%swap3A_39, %swap3A_40] : memref<1x128xf32, #tpu.memory_space<vmem>>, vector<1x128xf32>
      tpu.vector_store %arg4[%swap3A_39, %swap3A_40], %get3A_38 {strides = array<i32>} : memref<1x128xf32, #tpu.memory_space<vmem>>, vector<1x128xf32>,
    } else {
    }
    return
  }
  func.func @transform_0(%arg0: i32) -> (i32, i32) {
    %c0_i32 = arith.constant 0 : i32
    %c0_i32_0 = arith.constant 0 : i32
    return %arg0, %c0_i32 : i32, i32
  }
  func.func @transform_1(%arg0: i32) -> (i32, i32) {
    %c0_i32 = arith.constant 0 : i32
    %c0_i32_0 = arith.constant 0 : i32
    return %arg0, %c0_i32 : i32, i32
  }
  func.func @transform_2(%arg0: i32) -> (i32, i32) {
    %c0_i32 = arith.constant 0 : i32
    %c0_i32_0 = arith.constant 0 : i32
    %c0_i32_1 = arith.constant 0 : i32
    return %c0_i32, %c0_i32_0 : i32, i32
  }
  func.func @transform_3(%arg0: i32) -> (i32, i32) {
    %c0_i32 = arith.constant 0 : i32
    %c0_i32_0 = arith.constant 0 : i32
    %c0_i32_1 = arith.constant 0 : i32
    return %c0_i32, %c0_i32_0 : i32, i32
  }
}

module attributes {stable_mosaic.version = 14 : i64} {
  func.func @_p2_body(%arg0: i32, %arg1: memref<2048x128xf32, #tpu.memory_space<vmem>>, %arg2: memref<32x128xf32, #tpu.memory_space<vmem>>, %arg3: memref<128x128xf32, #tpu.memory_space<vmem>>, %arg4: memref<1x128xf32, #tpu.memory_space<vmem>>, %arg5: memref<1x128xf32, #tpu.memory_space<vmem>>, %arg6: memref<1x128xf32, #tpu.memory_space<vmem>>, %arg7: memref<2048x128xf32, #tpu.memory_space<vmem>>, %arg8: memref<1x128xf32, #tpu.memory_space<vmem>>, %arg9: memref<1x128xf32, #tpu.memory_space<vmem>>, %arg10: memref<1x128xf32, #tpu.memory_space<vmem>>, %arg11: memref<1x128xf32, #tpu.memory_space<vmem>>) attributes {dimension_semantics = [#tpu.dimension_semantics<arbitrary>], iteration_bounds = array<i64: 256>, scalar_prefetch = 0 : i64, scratch_operands = 2 : i64, tpu.core_type = #tpu.core_type<tc>, window_params = [{transform_indices = @transform_0, window_bounds = array<i64: 2048, 128>}, {transform_indices = @transform_1, window_bounds = array<i64: 32, 128>}, {pipeline_mode = #tpu.pipeline_mode<synchronous>, transform_indices = @transform_2, window_bounds = array<i64: 128, 128>}, {pipeline_mode = #tpu.pipeline_mode<synchronous>, transform_indices = @transform_3, window_bounds = array<i64: 1, 128>}, {pipeline_mode = #tpu.pipeline_mode<synchronous>, transform_indices = @transform_4, window_bounds = array<i64: 1, 128>}, {pipeline_mode = #tpu.pipeline_mode<synchronous>, transform_indices = @transform_5, window_bounds = array<i64: 1, 128>}, {transform_indices = @transform_6, window_bounds = array<i64: 2048, 128>}, {pipeline_mode = #tpu.pipeline_mode<synchronous>, transform_indices = @transform_7, window_bounds = array<i64: 1, 128>}, {pipeline_mode = #tpu.pipeline_mode<synchronous>, transform_indices = @transform_8, window_bounds = array<i64: 1, 128>}]} {
    %eq3A = arith.constant 0 : i32
    %eq3A_0 = arith.cmpi eq, %arg0, %eq3A : i32
    %convert_element_type3A = arith.extui %eq3A_0 : i1 to i32
    %cond3A = arith.constant 0 : i32
    %cond3A_1 = arith.cmpi ne, %convert_element_type3A, %cond3A : i32
    scf.if %cond3A_1 {
      %broadcast_in_dim3A_60 = arith.constant 0.000000e+00 : f32
      %broadcast_in_dim3A_61 = vector.broadcast %broadcast_in_dim3A_60 : f32 to vector<1x128xf32>
      %swap3A_62 = arith.constant 0 : index
      %swap3A_63 = arith.constant 0 : index
      %swap3A_64 = vector.load %arg10[%swap3A_62, %swap3A_63] : memref<1x128xf32, #tpu.memory_space<vmem>>, vector<1x128xf32>
      tpu.vector_store %arg10[%swap3A_62, %swap3A_63], %broadcast_in_dim3A_61 {strides = array<i32>} : memref<1x128xf32, #tpu.memory_space<vmem>>, vector<1x128xf32>,
      %broadcast_in_dim3A_65 = arith.constant 0.000000e+00 : f32
      %broadcast_in_dim3A_66 = vector.broadcast %broadcast_in_dim3A_65 : f32 to vector<1x128xf32>
      %swap3A_67 = arith.constant 0 : index
      %swap3A_68 = arith.constant 0 : index
      %swap3A_69 = vector.load %arg11[%swap3A_67, %swap3A_68] : memref<1x128xf32, #tpu.memory_space<vmem>>, vector<1x128xf32>
      tpu.vector_store %arg11[%swap3A_67, %swap3A_68], %broadcast_in_dim3A_66 {strides = array<i32>} : memref<1x128xf32, #tpu.memory_space<vmem>>, vector<1x128xf32>,
    } else {
    }
    %get3A = arith.constant 0 : index
    %get3A_2 = arith.constant 0 : index
    %get3A_3 = vector.load %arg1[%get3A, %get3A_2] : memref<2048x128xf32, #tpu.memory_space<vmem>>, vector<2048x128xf32>
    %get3A_4 = arith.constant 0 : index
    %get3A_5 = arith.constant 0 : index
    %get3A_6 = vector.load %arg2[%get3A_4, %get3A_5] : memref<32x128xf32, #tpu.memory_space<vmem>>, vector<32x128xf32>
    %reshape3A = vector.shape_cast %get3A_3 : vector<2048x128xf32> to vector<32x64x128xf32>
    %broadcast_in_dim3A = vector.shape_cast %get3A_6 : vector<32x128xf32> to vector<32x1x128xf32>
    %sub3A = vector.broadcast %broadcast_in_dim3A : vector<32x1x128xf32> to vector<32x64x128xf32>
    %sub3A_7 = arith.subf %reshape3A, %sub3A : vector<32x64x128xf32>
    %get3A_8 = arith.constant 0 : index
    %get3A_9 = arith.constant 0 : index
    %get3A_10 = vector.load %arg5[%get3A_8, %get3A_9] : memref<1x128xf32, #tpu.memory_space<vmem>>, vector<1x128xf32>
    %squeeze3A = vector.shape_cast %get3A_10 : vector<1x128xf32> to vector<128xf32>
    %broadcast_in_dim3A_11 = vector.shape_cast %squeeze3A : vector<128xf32> to vector<1x1x128xf32>
    %mul3A = vector.broadcast %broadcast_in_dim3A_11 : vector<1x1x128xf32> to vector<32x64x128xf32>
    %mul3A_12 = arith.mulf %sub3A_7, %mul3A : vector<32x64x128xf32>
    %get3A_13 = arith.constant 0 : index
    %get3A_14 = arith.constant 0 : index
    %get3A_15 = vector.load %arg6[%get3A_13, %get3A_14] : memref<1x128xf32, #tpu.memory_space<vmem>>, vector<1x128xf32>
    %squeeze3A_16 = vector.shape_cast %get3A_15 : vector<1x128xf32> to vector<128xf32>
    %broadcast_in_dim3A_17 = vector.shape_cast %squeeze3A_16 : vector<128xf32> to vector<1x1x128xf32>
    %add3A = vector.broadcast %broadcast_in_dim3A_17 : vector<1x1x128xf32> to vector<32x64x128xf32>
    %add3A_18 = arith.addf %mul3A_12, %add3A : vector<32x64x128xf32>
    %max3A = arith.constant 0.000000e+00 : f32
    %max3A_19 = vector.broadcast %max3A : f32 to vector<32x64x128xf32>
    %max3A_20 = arith.maximumf %add3A_18, %max3A_19 : vector<32x64x128xf32>
    %reshape3A_21 = vector.shape_cast %max3A_20 : vector<32x64x128xf32> to vector<2048x128xf32>
    %convert_element_type3A_22 = arith.truncf %reshape3A_21 : vector<2048x128xf32> to vector<2048x128xbf16>
    %get3A_23 = arith.constant 0 : index
    %get3A_24 = arith.constant 0 : index
    %get3A_25 = vector.load %arg3[%get3A_23, %get3A_24] : memref<128x128xf32, #tpu.memory_space<vmem>>, vector<128x128xf32>
    %convert_element_type3A_26 = arith.truncf %get3A_25 : vector<128x128xf32> to vector<128x128xbf16>
    %dot_general3A = arith.constant dense<0.000000e+00> : vector<2048x128xf32>
    %dot_general3A_27 = tpu.matmul %convert_element_type3A_22, %convert_element_type3A_26, %dot_general3A {dimension_numbers = #tpu.dot_dimension_numbers<[1], [0], [0], [1], [0, 0, 1, 1], [], []>, transpose_lhs_hint = false} : vector<2048x128xbf16>, vector<128x128xbf16>, vector<2048x128xf32> -> vector<2048x128xf32>
    %get3A_28 = arith.constant 0 : index
    %get3A_29 = arith.constant 0 : index
    %get3A_30 = vector.load %arg4[%get3A_28, %get3A_29] : memref<1x128xf32, #tpu.memory_space<vmem>>, vector<1x128xf32>
    %add3A_31 = vector.broadcast %get3A_30 : vector<1x128xf32> to vector<2048x128xf32>
    %add3A_32 = arith.addf %dot_general3A_27, %add3A_31 : vector<2048x128xf32>
    %swap3A = arith.constant 0 : index
    %swap3A_33 = arith.constant 0 : index
    %swap3A_34 = vector.load %arg7[%swap3A, %swap3A_33] : memref<2048x128xf32, #tpu.memory_space<vmem>>, vector<2048x128xf32>
    tpu.vector_store %arg7[%swap3A, %swap3A_33], %add3A_32 {strides = array<i32>} : memref<2048x128xf32, #tpu.memory_space<vmem>>, vector<2048x128xf32>,
    %get3A_35 = arith.constant 0 : index
    %get3A_36 = arith.constant 0 : index
    %get3A_37 = vector.load %arg10[%get3A_35, %get3A_36] : memref<1x128xf32, #tpu.memory_space<vmem>>, vector<1x128xf32>
    %reduce_sum3A = arith.constant dense<0.000000e+00> : vector<128xf32>
    %reduce_sum3A_38 = vector.multi_reduction <add>, %add3A_32, %reduce_sum3A [0] : vector<2048x128xf32> to vector<128xf32>
    %broadcast_in_dim3A_39 = vector.shape_cast %reduce_sum3A_38 : vector<128xf32> to vector<1x128xf32>
    %add3A_40 = arith.addf %get3A_37, %broadcast_in_dim3A_39 : vector<1x128xf32>
    %swap3A_41 = arith.constant 0 : index
    %swap3A_42 = arith.constant 0 : index
    %swap3A_43 = vector.load %arg10[%swap3A_41, %swap3A_42] : memref<1x128xf32, #tpu.memory_space<vmem>>, vector<1x128xf32>
    tpu.vector_store %arg10[%swap3A_41, %swap3A_42], %add3A_40 {strides = array<i32>} : memref<1x128xf32, #tpu.memory_space<vmem>>, vector<1x128xf32>,
    %get3A_44 = arith.constant 0 : index
    %get3A_45 = arith.constant 0 : index
    %get3A_46 = vector.load %arg11[%get3A_44, %get3A_45] : memref<1x128xf32, #tpu.memory_space<vmem>>, vector<1x128xf32>
    %mul3A_47 = arith.mulf %add3A_32, %add3A_32 : vector<2048x128xf32>
    %reduce_sum3A_48 = arith.constant dense<0.000000e+00> : vector<128xf32>
    %reduce_sum3A_49 = vector.multi_reduction <add>, %mul3A_47, %reduce_sum3A_48 [0] : vector<2048x128xf32> to vector<128xf32>
    %broadcast_in_dim3A_50 = vector.shape_cast %reduce_sum3A_49 : vector<128xf32> to vector<1x128xf32>
    %add3A_51 = arith.addf %get3A_46, %broadcast_in_dim3A_50 : vector<1x128xf32>
    %swap3A_52 = arith.constant 0 : index
    %swap3A_53 = arith.constant 0 : index
    %swap3A_54 = vector.load %arg11[%swap3A_52, %swap3A_53] : memref<1x128xf32, #tpu.memory_space<vmem>>, vector<1x128xf32>
    tpu.vector_store %arg11[%swap3A_52, %swap3A_53], %add3A_51 {strides = array<i32>} : memref<1x128xf32, #tpu.memory_space<vmem>>, vector<1x128xf32>,
    %eq3A_55 = arith.constant 255 : i32
    %eq3A_56 = arith.cmpi eq, %arg0, %eq3A_55 : i32
    %convert_element_type3A_57 = arith.extui %eq3A_56 : i1 to i32
    %cond3A_58 = arith.constant 0 : i32
    %cond3A_59 = arith.cmpi ne, %convert_element_type3A_57, %cond3A_58 : i32
    scf.if %cond3A_59 {
      %get3A_60 = arith.constant 0 : index
      %get3A_61 = arith.constant 0 : index
      %get3A_62 = vector.load %arg10[%get3A_60, %get3A_61] : memref<1x128xf32, #tpu.memory_space<vmem>>, vector<1x128xf32>
      %swap3A_63 = arith.constant 0 : index
      %swap3A_64 = arith.constant 0 : index
      %swap3A_65 = vector.load %arg8[%swap3A_63, %swap3A_64] : memref<1x128xf32, #tpu.memory_space<vmem>>, vector<1x128xf32>
      tpu.vector_store %arg8[%swap3A_63, %swap3A_64], %get3A_62 {strides = array<i32>} : memref<1x128xf32, #tpu.memory_space<vmem>>, vector<1x128xf32>,
      %get3A_66 = arith.constant 0 : index
      %get3A_67 = arith.constant 0 : index
      %get3A_68 = vector.load %arg11[%get3A_66, %get3A_67] : memref<1x128xf32, #tpu.memory_space<vmem>>, vector<1x128xf32>
      %swap3A_69 = arith.constant 0 : index
      %swap3A_70 = arith.constant 0 : index
      %swap3A_71 = vector.load %arg9[%swap3A_69, %swap3A_70] : memref<1x128xf32, #tpu.memory_space<vmem>>, vector<1x128xf32>
      tpu.vector_store %arg9[%swap3A_69, %swap3A_70], %get3A_68 {strides = array<i32>} : memref<1x128xf32, #tpu.memory_space<vmem>>, vector<1x128xf32>,
    } else {
    }
    return
  }
  func.func @transform_0(%arg0: i32) -> (i32, i32) {
    %c0_i32 = arith.constant 0 : i32
    %c0_i32_0 = arith.constant 0 : i32
    return %arg0, %c0_i32 : i32, i32
  }
  func.func @transform_1(%arg0: i32) -> (i32, i32) {
    %c0_i32 = arith.constant 0 : i32
    %c0_i32_0 = arith.constant 0 : i32
    return %arg0, %c0_i32 : i32, i32
  }
  func.func @transform_2(%arg0: i32) -> (i32, i32) {
    %c0_i32 = arith.constant 0 : i32
    %c0_i32_0 = arith.constant 0 : i32
    %c0_i32_1 = arith.constant 0 : i32
    return %c0_i32, %c0_i32_0 : i32, i32
  }
  func.func @transform_3(%arg0: i32) -> (i32, i32) {
    %c0_i32 = arith.constant 0 : i32
    %c0_i32_0 = arith.constant 0 : i32
    %c0_i32_1 = arith.constant 0 : i32
    return %c0_i32, %c0_i32_0 : i32, i32
  }
  func.func @transform_4(%arg0: i32) -> (i32, i32) {
    %c0_i32 = arith.constant 0 : i32
    %c0_i32_0 = arith.constant 0 : i32
    %c0_i32_1 = arith.constant 0 : i32
    return %c0_i32, %c0_i32_0 : i32, i32
  }
  func.func @transform_5(%arg0: i32) -> (i32, i32) {
    %c0_i32 = arith.constant 0 : i32
    %c0_i32_0 = arith.constant 0 : i32
    %c0_i32_1 = arith.constant 0 : i32
    return %c0_i32, %c0_i32_0 : i32, i32
  }
  func.func @transform_6(%arg0: i32) -> (i32, i32) {
    %c0_i32 = arith.constant 0 : i32
    %c0_i32_0 = arith.constant 0 : i32
    return %arg0, %c0_i32 : i32, i32
  }
  func.func @transform_7(%arg0: i32) -> (i32, i32) {
    %c0_i32 = arith.constant 0 : i32
    %c0_i32_0 = arith.constant 0 : i32
    %c0_i32_1 = arith.constant 0 : i32
    return %c0_i32, %c0_i32_0 : i32, i32
  }
  func.func @transform_8(%arg0: i32) -> (i32, i32) {
    %c0_i32 = arith.constant 0 : i32
    %c0_i32_0 = arith.constant 0 : i32
    %c0_i32_1 = arith.constant 0 : i32
    return %c0_i32, %c0_i32_0 : i32, i32
  }
}

module attributes {stable_mosaic.version = 14 : i64} {
  func.func @_p3_body(%arg0: i32, %arg1: memref<2048x128xf32, #tpu.memory_space<vmem>>, %arg2: memref<128x256xf32, #tpu.memory_space<vmem>>, %arg3: memref<1x256xf32, #tpu.memory_space<vmem>>, %arg4: memref<1x128xf32, #tpu.memory_space<vmem>>, %arg5: memref<1x128xf32, #tpu.memory_space<vmem>>, %arg6: memref<32x256xf32, #tpu.memory_space<vmem>>, %arg7: memref<32x256xf32, #tpu.memory_space<vmem>>, %arg8: memref<1x256xf32, #tpu.memory_space<vmem>>, %arg9: memref<1x256xf32, #tpu.memory_space<vmem>>, %arg10: memref<1x256xf32, #tpu.memory_space<vmem>>, %arg11: memref<1x256xf32, #tpu.memory_space<vmem>>) attributes {dimension_semantics = [#tpu.dimension_semantics<arbitrary>], iteration_bounds = array<i64: 256>, scalar_prefetch = 0 : i64, scratch_operands = 2 : i64, tpu.core_type = #tpu.core_type<tc>, window_params = [{transform_indices = @transform_0, window_bounds = array<i64: 2048, 128>}, {pipeline_mode = #tpu.pipeline_mode<synchronous>, transform_indices = @transform_1, window_bounds = array<i64: 128, 256>}, {pipeline_mode = #tpu.pipeline_mode<synchronous>, transform_indices = @transform_2, window_bounds = array<i64: 1, 256>}, {pipeline_mode = #tpu.pipeline_mode<synchronous>, transform_indices = @transform_3, window_bounds = array<i64: 1, 128>}, {pipeline_mode = #tpu.pipeline_mode<synchronous>, transform_indices = @transform_4, window_bounds = array<i64: 1, 128>}, {transform_indices = @transform_5, window_bounds = array<i64: 32, 256>}, {transform_indices = @transform_6, window_bounds = array<i64: 32, 256>}, {pipeline_mode = #tpu.pipeline_mode<synchronous>, transform_indices = @transform_7, window_bounds = array<i64: 1, 256>}, {pipeline_mode = #tpu.pipeline_mode<synchronous>, transform_indices = @transform_8, window_bounds = array<i64: 1, 256>}]} {
    %eq3A = arith.constant 0 : i32
    %eq3A_0 = arith.cmpi eq, %arg0, %eq3A : i32
    %convert_element_type3A = arith.extui %eq3A_0 : i1 to i32
    %cond3A = arith.constant 0 : i32
    %cond3A_1 = arith.cmpi ne, %convert_element_type3A, %cond3A : i32
    scf.if %cond3A_1 {
      %broadcast_in_dim3A_56 = arith.constant 0.000000e+00 : f32
      %broadcast_in_dim3A_57 = vector.broadcast %broadcast_in_dim3A_56 : f32 to vector<1x256xf32>
      %swap3A_58 = arith.constant 0 : index
      %swap3A_59 = arith.constant 0 : index
      %swap3A_60 = vector.load %arg10[%swap3A_58, %swap3A_59] : memref<1x256xf32, #tpu.memory_space<vmem>>, vector<1x256xf32>
      tpu.vector_store %arg10[%swap3A_58, %swap3A_59], %broadcast_in_dim3A_57 {strides = array<i32>} : memref<1x256xf32, #tpu.memory_space<vmem>>, vector<1x256xf32>,
      %broadcast_in_dim3A_61 = arith.constant 0.000000e+00 : f32
      %broadcast_in_dim3A_62 = vector.broadcast %broadcast_in_dim3A_61 : f32 to vector<1x256xf32>
      %swap3A_63 = arith.constant 0 : index
      %swap3A_64 = arith.constant 0 : index
      %swap3A_65 = vector.load %arg11[%swap3A_63, %swap3A_64] : memref<1x256xf32, #tpu.memory_space<vmem>>, vector<1x256xf32>
      tpu.vector_store %arg11[%swap3A_63, %swap3A_64], %broadcast_in_dim3A_62 {strides = array<i32>} : memref<1x256xf32, #tpu.memory_space<vmem>>, vector<1x256xf32>,
    } else {
    }
    %get3A = arith.constant 0 : index
    %get3A_2 = arith.constant 0 : index
    %get3A_3 = vector.load %arg1[%get3A, %get3A_2] : memref<2048x128xf32, #tpu.memory_space<vmem>>, vector<2048x128xf32>
    %get3A_4 = arith.constant 0 : index
    %get3A_5 = arith.constant 0 : index
    %get3A_6 = vector.load %arg4[%get3A_4, %get3A_5] : memref<1x128xf32, #tpu.memory_space<vmem>>, vector<1x128xf32>
    %mul3A = vector.broadcast %get3A_6 : vector<1x128xf32> to vector<2048x128xf32>
    %mul3A_7 = arith.mulf %get3A_3, %mul3A : vector<2048x128xf32>
    %get3A_8 = arith.constant 0 : index
    %get3A_9 = arith.constant 0 : index
    %get3A_10 = vector.load %arg5[%get3A_8, %get3A_9] : memref<1x128xf32, #tpu.memory_space<vmem>>, vector<1x128xf32>
    %add3A = vector.broadcast %get3A_10 : vector<1x128xf32> to vector<2048x128xf32>
    %add3A_11 = arith.addf %mul3A_7, %add3A : vector<2048x128xf32>
    %max3A = arith.constant 0.000000e+00 : f32
    %max3A_12 = vector.broadcast %max3A : f32 to vector<2048x128xf32>
    %max3A_13 = arith.maximumf %add3A_11, %max3A_12 : vector<2048x128xf32>
    %convert_element_type3A_14 = arith.truncf %max3A_13 : vector<2048x128xf32> to vector<2048x128xbf16>
    %get3A_15 = arith.constant 0 : index
    %get3A_16 = arith.constant 0 : index
    %get3A_17 = vector.load %arg2[%get3A_15, %get3A_16] : memref<128x256xf32, #tpu.memory_space<vmem>>, vector<128x256xf32>
    %convert_element_type3A_18 = arith.truncf %get3A_17 : vector<128x256xf32> to vector<128x256xbf16>
    %dot_general3A = arith.constant dense<0.000000e+00> : vector<2048x256xf32>
    %dot_general3A_19 = tpu.matmul %convert_element_type3A_14, %convert_element_type3A_18, %dot_general3A {dimension_numbers = #tpu.dot_dimension_numbers<[1], [0], [0], [1], [0, 0, 1, 1], [], []>, transpose_lhs_hint = false} : vector<2048x128xbf16>, vector<128x256xbf16>, vector<2048x256xf32> -> vector<2048x256xf32>
    %get3A_20 = arith.constant 0 : index
    %get3A_21 = arith.constant 0 : index
    %get3A_22 = vector.load %arg3[%get3A_20, %get3A_21] : memref<1x256xf32, #tpu.memory_space<vmem>>, vector<1x256xf32>
    %add3A_23 = vector.broadcast %get3A_22 : vector<1x256xf32> to vector<2048x256xf32>
    %add3A_24 = arith.addf %dot_general3A_19, %add3A_23 : vector<2048x256xf32>
    %get3A_25 = arith.constant 0 : index
    %get3A_26 = arith.constant 0 : index
    %get3A_27 = vector.load %arg10[%get3A_25, %get3A_26] : memref<1x256xf32, #tpu.memory_space<vmem>>, vector<1x256xf32>
    %reduce_sum3A = arith.constant dense<0.000000e+00> : vector<256xf32>
    %reduce_sum3A_28 = vector.multi_reduction <add>, %add3A_24, %reduce_sum3A [0] : vector<2048x256xf32> to vector<256xf32>
    %broadcast_in_dim3A = vector.shape_cast %reduce_sum3A_28 : vector<256xf32> to vector<1x256xf32>
    %add3A_29 = arith.addf %get3A_27, %broadcast_in_dim3A : vector<1x256xf32>
    %swap3A = arith.constant 0 : index
    %swap3A_30 = arith.constant 0 : index
    %swap3A_31 = vector.load %arg10[%swap3A, %swap3A_30] : memref<1x256xf32, #tpu.memory_space<vmem>>, vector<1x256xf32>
    tpu.vector_store %arg10[%swap3A, %swap3A_30], %add3A_29 {strides = array<i32>} : memref<1x256xf32, #tpu.memory_space<vmem>>, vector<1x256xf32>,
    %get3A_32 = arith.constant 0 : index
    %get3A_33 = arith.constant 0 : index
    %get3A_34 = vector.load %arg11[%get3A_32, %get3A_33] : memref<1x256xf32, #tpu.memory_space<vmem>>, vector<1x256xf32>
    %mul3A_35 = arith.mulf %add3A_24, %add3A_24 : vector<2048x256xf32>
    %reduce_sum3A_36 = arith.constant dense<0.000000e+00> : vector<256xf32>
    %reduce_sum3A_37 = vector.multi_reduction <add>, %mul3A_35, %reduce_sum3A_36 [0] : vector<2048x256xf32> to vector<256xf32>
    %broadcast_in_dim3A_38 = vector.shape_cast %reduce_sum3A_37 : vector<256xf32> to vector<1x256xf32>
    %add3A_39 = arith.addf %get3A_34, %broadcast_in_dim3A_38 : vector<1x256xf32>
    %swap3A_40 = arith.constant 0 : index
    %swap3A_41 = arith.constant 0 : index
    %swap3A_42 = vector.load %arg11[%swap3A_40, %swap3A_41] : memref<1x256xf32, #tpu.memory_space<vmem>>, vector<1x256xf32>
    tpu.vector_store %arg11[%swap3A_40, %swap3A_41], %add3A_39 {strides = array<i32>} : memref<1x256xf32, #tpu.memory_space<vmem>>, vector<1x256xf32>,
    %reshape3A = vector.shape_cast %add3A_24 : vector<2048x256xf32> to vector<32x64x256xf32>
    %reduce_max3A = arith.constant dense<0xFF800000> : vector<32x256xf32>
    %reduce_max3A_43 = vector.multi_reduction <maximumf>, %reshape3A, %reduce_max3A [1] : vector<32x64x256xf32> to vector<32x256xf32>
    %swap3A_44 = arith.constant 0 : index
    %swap3A_45 = arith.constant 0 : index
    %swap3A_46 = vector.load %arg6[%swap3A_44, %swap3A_45] : memref<32x256xf32, #tpu.memory_space<vmem>>, vector<32x256xf32>
    tpu.vector_store %arg6[%swap3A_44, %swap3A_45], %reduce_max3A_43 {strides = array<i32>} : memref<32x256xf32, #tpu.memory_space<vmem>>, vector<32x256xf32>,
    %reduce_min3A = arith.constant dense<0x7F800000> : vector<32x256xf32>
    %reduce_min3A_47 = vector.multi_reduction <minimumf>, %reshape3A, %reduce_min3A [1] : vector<32x64x256xf32> to vector<32x256xf32>
    %swap3A_48 = arith.constant 0 : index
    %swap3A_49 = arith.constant 0 : index
    %swap3A_50 = vector.load %arg7[%swap3A_48, %swap3A_49] : memref<32x256xf32, #tpu.memory_space<vmem>>, vector<32x256xf32>
    tpu.vector_store %arg7[%swap3A_48, %swap3A_49], %reduce_min3A_47 {strides = array<i32>} : memref<32x256xf32, #tpu.memory_space<vmem>>, vector<32x256xf32>,
    %eq3A_51 = arith.constant 255 : i32
    %eq3A_52 = arith.cmpi eq, %arg0, %eq3A_51 : i32
    %convert_element_type3A_53 = arith.extui %eq3A_52 : i1 to i32
    %cond3A_54 = arith.constant 0 : i32
    %cond3A_55 = arith.cmpi ne, %convert_element_type3A_53, %cond3A_54 : i32
    scf.if %cond3A_55 {
      %get3A_56 = arith.constant 0 : index
      %get3A_57 = arith.constant 0 : index
      %get3A_58 = vector.load %arg10[%get3A_56, %get3A_57] : memref<1x256xf32, #tpu.memory_space<vmem>>, vector<1x256xf32>
      %swap3A_59 = arith.constant 0 : index
      %swap3A_60 = arith.constant 0 : index
      %swap3A_61 = vector.load %arg8[%swap3A_59, %swap3A_60] : memref<1x256xf32, #tpu.memory_space<vmem>>, vector<1x256xf32>
      tpu.vector_store %arg8[%swap3A_59, %swap3A_60], %get3A_58 {strides = array<i32>} : memref<1x256xf32, #tpu.memory_space<vmem>>, vector<1x256xf32>,
      %get3A_62 = arith.constant 0 : index
      %get3A_63 = arith.constant 0 : index
      %get3A_64 = vector.load %arg11[%get3A_62, %get3A_63] : memref<1x256xf32, #tpu.memory_space<vmem>>, vector<1x256xf32>
      %swap3A_65 = arith.constant 0 : index
      %swap3A_66 = arith.constant 0 : index
      %swap3A_67 = vector.load %arg9[%swap3A_65, %swap3A_66] : memref<1x256xf32, #tpu.memory_space<vmem>>, vector<1x256xf32>
      tpu.vector_store %arg9[%swap3A_65, %swap3A_66], %get3A_64 {strides = array<i32>} : memref<1x256xf32, #tpu.memory_space<vmem>>, vector<1x256xf32>,
    } else {
    }
    return
  }
  func.func @transform_0(%arg0: i32) -> (i32, i32) {
    %c0_i32 = arith.constant 0 : i32
    %c0_i32_0 = arith.constant 0 : i32
    return %arg0, %c0_i32 : i32, i32
  }
  func.func @transform_1(%arg0: i32) -> (i32, i32) {
    %c0_i32 = arith.constant 0 : i32
    %c0_i32_0 = arith.constant 0 : i32
    %c0_i32_1 = arith.constant 0 : i32
    return %c0_i32, %c0_i32_0 : i32, i32
  }
  func.func @transform_2(%arg0: i32) -> (i32, i32) {
    %c0_i32 = arith.constant 0 : i32
    %c0_i32_0 = arith.constant 0 : i32
    %c0_i32_1 = arith.constant 0 : i32
    return %c0_i32, %c0_i32_0 : i32, i32
  }
  func.func @transform_3(%arg0: i32) -> (i32, i32) {
    %c0_i32 = arith.constant 0 : i32
    %c0_i32_0 = arith.constant 0 : i32
    %c0_i32_1 = arith.constant 0 : i32
    return %c0_i32, %c0_i32_0 : i32, i32
  }
  func.func @transform_4(%arg0: i32) -> (i32, i32) {
    %c0_i32 = arith.constant 0 : i32
    %c0_i32_0 = arith.constant 0 : i32
    %c0_i32_1 = arith.constant 0 : i32
    return %c0_i32, %c0_i32_0 : i32, i32
  }
  func.func @transform_5(%arg0: i32) -> (i32, i32) {
    %c0_i32 = arith.constant 0 : i32
    %c0_i32_0 = arith.constant 0 : i32
    return %arg0, %c0_i32 : i32, i32
  }
  func.func @transform_6(%arg0: i32) -> (i32, i32) {
    %c0_i32 = arith.constant 0 : i32
    %c0_i32_0 = arith.constant 0 : i32
    return %arg0, %c0_i32 : i32, i32
  }
  func.func @transform_7(%arg0: i32) -> (i32, i32) {
    %c0_i32 = arith.constant 0 : i32
    %c0_i32_0 = arith.constant 0 : i32
    %c0_i32_1 = arith.constant 0 : i32
    return %c0_i32, %c0_i32_0 : i32, i32
  }
  func.func @transform_8(%arg0: i32) -> (i32, i32) {
    %c0_i32 = arith.constant 0 : i32
    %c0_i32_0 = arith.constant 0 : i32
    %c0_i32_1 = arith.constant 0 : i32
    return %c0_i32, %c0_i32_0 : i32, i32
  }
}

module attributes {stable_mosaic.version = 14 : i64} {
  func.func @_p4_body(%arg0: memref<8192x256xf32, #tpu.memory_space<vmem>>, %arg1: memref<8192x256xf32, #tpu.memory_space<vmem>>, %arg2: memref<1x256xf32, #tpu.memory_space<vmem>>, %arg3: memref<1x256xf32, #tpu.memory_space<vmem>>, %arg4: memref<8192x256xf32, #tpu.memory_space<vmem>>) attributes {dimension_semantics = [], scalar_prefetch = 0 : i64, scratch_operands = 0 : i64, tpu.core_type = #tpu.core_type<tc>} {
    %get3A = arith.constant 0 : index
    %get3A_0 = arith.constant 0 : index
    %get3A_1 = vector.load %arg2[%get3A, %get3A_0] : memref<1x256xf32, #tpu.memory_space<vmem>>, vector<1x256xf32>
    %gt3A = arith.constant 0.000000e+00 : f32
    %gt3A_2 = vector.broadcast %gt3A : f32 to vector<1x256xf32>
    %gt3A_3 = arith.cmpf ogt, %get3A_1, %gt3A_2 : vector<1x256xf32>
    %get3A_4 = arith.constant 0 : index
    %get3A_5 = arith.constant 0 : index
    %get3A_6 = vector.load %arg0[%get3A_4, %get3A_5] : memref<8192x256xf32, #tpu.memory_space<vmem>>, vector<8192x256xf32>
    %get3A_7 = arith.constant 0 : index
    %get3A_8 = arith.constant 0 : index
    %get3A_9 = vector.load %arg1[%get3A_7, %get3A_8] : memref<8192x256xf32, #tpu.memory_space<vmem>>, vector<8192x256xf32>
    %broadcast_in_dim3A = vector.shape_cast %gt3A_3 : vector<1x256xi1> to vector<1x256xi1>
    %broadcast_in_dim3A_10 = vector.broadcast %broadcast_in_dim3A : vector<1x256xi1> to vector<8192x256xi1>
    %select_n3A = arith.select %broadcast_in_dim3A_10, %get3A_6, %get3A_9 : vector<8192x256xi1>, vector<8192x256xf32>
    %mul3A = vector.broadcast %get3A_1 : vector<1x256xf32> to vector<8192x256xf32>
    %mul3A_11 = arith.mulf %select_n3A, %mul3A : vector<8192x256xf32>
    %get3A_12 = arith.constant 0 : index
    %get3A_13 = arith.constant 0 : index
    %get3A_14 = vector.load %arg3[%get3A_12, %get3A_13] : memref<1x256xf32, #tpu.memory_space<vmem>>, vector<1x256xf32>
    %add3A = vector.broadcast %get3A_14 : vector<1x256xf32> to vector<8192x256xf32>
    %add3A_15 = arith.addf %mul3A_11, %add3A : vector<8192x256xf32>
    %max3A = arith.constant 0.000000e+00 : f32
    %max3A_16 = vector.broadcast %max3A : f32 to vector<8192x256xf32>
    %max3A_17 = arith.maximumf %add3A_15, %max3A_16 : vector<8192x256xf32>
    %swap3A = arith.constant 0 : index
    %swap3A_18 = arith.constant 0 : index
    %swap3A_19 = vector.load %arg4[%swap3A, %swap3A_18] : memref<8192x256xf32, #tpu.memory_space<vmem>>, vector<8192x256xf32>
    tpu.vector_store %arg4[%swap3A, %swap3A_18], %max3A_17 {strides = array<i32>} : memref<8192x256xf32, #tpu.memory_space<vmem>>, vector<8192x256xf32>,
    return
  }
}

</mosaic_0001>

<sc_bundles>
// kernel: kernel.10.cloned.1.call-start
scs
__scs_entry_jumppad:
0x0: {  	(pc) =	sbr.rel $0x88, $3  }
0x1: {  	(tag) =	ssettag $0x0;
	lr =	simm.s32 $0x1  }
0x2: {  	[smem:$0x3F93] =	sst lr;
	_ =	strace $0xD0000000  }
0x3: {  	_ = 	snop  }
0x4: {  	_ = 	snop  }
0x5: {  	_ = 	snop  }
0x6: {  	_ = 	snop  }
0x7: {  	_ = 	snop  }
__scs_overlays_trampoline_lowered:
0x8: {  	[smem:$0x3FA2] =	sst s0  }
0x9: {  	[smem:$0x3FA3] =	sst s1  }
0xa: {  	[smem:$0x3FA4] =	sst s2  }
0xb: {  	[smem:$0x3FA5] =	sst s3  }
0xc: {  	[smem:$0x3FA6] =	sst s4  }
0xd: {  	[smem:$0x3FA7] =	sst s5  }
0xe: {  	[smem:$0x3FA8] =	sst s6  }
0xf: {  	[smem:$0x3FA9] =	sst s7  }
0x10: {  	[smem:$0x3FAA] =	sst s8  }
0x11: {  	[smem:$0x3FAB] =	sst s9;
	s0 =	simm.s32 @!p0 $0x0  }
0x12: {  	s1 =	sld [smem:$0x3F91];
	s0 =	simm.s32 @p0 $0x1  }
0x13: {  	[smem:$0x3FAC] =	sst s0;
	s0 =	simm.s32 @!p1 $0x0  }
0x14: {  	s2 =	sld [smem:$0x3F90];
	s0 =	simm.s32 @p1 $0x1  }
0x15: {  	[smem:$0x3FAD] =	sst s0;
	s0 =	simm.s32 @!p2 $0x0  }
0x16: {  	s3 =	sld [smem:$0x3FDB];
	s0 =	simm.s32 @p2 $0x1  }
0x17: {  	s4 =	simm.s32 $0x1BF5;
	[smem:$0x3FAF] =	sst s0  }
0x18: {  	s0 =	sld [smem:$0x3F92];
	_ =	swait.ge [sflag:s4], $0x0  }
0x19: {  	s7 =	sld [smem:$0x3F93]  }
0x1a: {  	s8 =	sadd.s32 $0xFFFFE003, lr  }
0x1b: {  	s9 =	sadd.s32 $0xFFFFFEF7, lr;
	s5 =	simm.s32 $0xFFFFFFFF;
	p2 =	slt.u32 s8, $0xFFFFF086  }
0x1c: {  	p1 =	slt.u32 s9, $0xF7A;
	s5 =	simm.s32 @!p2 $0x0  }
0x1d: {  	s5 =	simm.s32 @p1 $0x1;
	p0 =	seq.s32 s7, s2  }
0x1e: {  	s7 =	smul.u32 @!p0 $0xF7A, s2;
	p2 =	seq.s32 @!p0 s5, $0x0  }
0x1f: {  	s9 =	smul.u32 $0xF7A, s1;
	s8 =	simm.s32 @!p0 $0x1BF5;
	p2 =	por !p2, p0  }
0x20: {  	[sflag:s8] =	ssyncset.s32 @!p0 $0xFFFFF086;
	s6 =	sadd.s32 @!p0 s3, s7;
	s7 =	simm.s32 @!p0 $0x108  }
0x21: {  	s3 =	sadd.s32 s3, s9;
	s6 =	sadd.s32 @!p0 $0x88, s6;
	s7 =	simm.s32 @p2 $0x1082  }
0x22: {  	[simem:s7], [sflag:s8] =	dma.local @!p0 [hbm:s6], $0xF7A  }
0x23: {  	s9 =	sor.u32 $0xD0000000, s2;
	s6 =	simm.s32 $0x108;
	_ =	swait.ge @!p0 [sflag:s8], $0x0  }
0x24: {  	s3 =	sadd.s32 $0x88, s3;
	s6 =	simm.s32 @!p1 $0x1082;
	[sflag:s4] =	ssyncset.s32 $0xFFFFF086  }
0x25: {  	[simem:s6], [sflag:s4] =	dma.local [hbm:s3], $0xF7A  }
0x26: {  	[smem:$0x3F93] =	sst s1;
	(tag) =	ssettag s2;
	_ =	strace s9  }
0x27: {  	s1 =	sld [smem:$0x3FA3]  }
0x28: {  	s2 =	sld [smem:$0x3FA4]  }
0x29: {  	s4 =	sld [smem:$0x3FA6]  }
0x2a: {  	p0 =	seq.s32 s5, $0x0;
	s5 =	sld [smem:$0x3FA7]  }
0x2b: {  	s6 =	sld [smem:$0x3FA8]  }
0x2c: {  	s7 =	sld [smem:$0x3FA9]  }
0x2d: {  	s3 =	simm.s32 $0x108;
	s8 =	sld [smem:$0x3FAA]  }
0x2e: {  	s3 =	simm.s32 @!p0 $0x1082;
	s9 =	sld [smem:$0x3FAB]  }
0x2f: {  	lr =	sadd.s32 s0, s3;
	s0 =	sld [smem:$0x3FA2]  }
0x30: {  	s3 =	sld [smem:$0x3FA5]  }
0x31: {  	[smem:$0x3FAE] =	sst s10  }
0x32: {  	s10 =	sld [smem:$0x3FAC];
	_ =	sdelay $0x3  }
0x33: {  	p0 =	seq.s32 s10, $0x1;
	s10 =	sld [smem:$0x3FAE];
	_ =	sdelay $0x3  }
0x34: {  	[smem:$0x3FAE] =	sst s10  }
0x35: {  	s10 =	sld [smem:$0x3FAD];
	_ =	sdelay $0x3  }
0x36: {  	p1 =	seq.s32 s10, $0x1;
	s10 =	sld [smem:$0x3FAE];
	_ =	sdelay $0x3  }
0x37: {  	[smem:$0x3FAE] =	sst s10  }
0x38: {  	s10 =	sld [smem:$0x3FAF]  }
0x39: {  	_ = 	snop;
	(pc) =	sbr.ind lr, $3  }
0x3a: {  	_ = 	snop  }
0x3b: {  	_ = 	snop  }
0x3c: {  	p2 =	seq.s32 s10, $0x1;
	s10 =	sld [smem:$0x3FAE]  }
0x3d: {  	_ =	shalt  }
0x3e: {  	_ =	shalt  }
0x3f: {  	_ =	shalt  }
0x40: {  	_ =	shalt  }
0x41: {  	_ =	shalt  }
0x42: {  	_ =	shalt  }
0x43: {  	_ =	shalt  }
0x44: {  	_ =	shalt  }
0x45: {  	_ =	shalt  }
0x46: {  	_ =	shalt  }
0x47: {  	_ =	shalt  }
0x48: {  	_ =	shalt  }
0x49: {  	_ =	shalt  }
0x4a: {  	_ =	shalt  }
0x4b: {  	_ =	shalt  }
0x4c: {  	_ =	shalt  }
0x4d: {  	_ =	shalt  }
0x4e: {  	_ =	shalt  }
0x4f: {  	_ =	shalt  }
0x50: {  	_ =	shalt  }
0x51: {  	_ =	shalt  }
0x52: {  	_ =	shalt  }
0x53: {  	_ =	shalt  }
0x54: {  	_ =	shalt  }
0x55: {  	_ =	shalt  }
0x56: {  	_ =	shalt  }
0x57: {  	_ =	shalt  }
0x58: {  	_ =	shalt  }
0x59: {  	_ =	shalt  }
0x5a: {  	_ =	shalt  }
0x5b: {  	_ =	shalt  }
0x5c: {  	_ =	shalt  }
0x5d: {  	_ =	shalt  }
0x5e: {  	_ =	shalt  }
0x5f: {  	_ =	shalt  }
0x60: {  	_ =	shalt  }
0x61: {  	_ =	shalt  }
0x62: {  	_ =	shalt  }
0x63: {  	_ =	shalt  }
0x64: {  	_ =	shalt  }
0x65: {  	_ =	shalt  }
0x66: {  	_ =	shalt  }
0x67: {  	_ =	shalt  }
0x68: {  	_ =	shalt  }
0x69: {  	_ =	shalt  }
0x6a: {  	_ =	shalt  }
0x6b: {  	_ =	shalt  }
0x6c: {  	_ =	shalt  }
0x6d: {  	_ =	shalt  }
0x6e: {  	_ =	shalt  }
0x6f: {  	_ =	shalt  }
0x70: {  	_ =	shalt  }
0x71: {  	_ =	shalt  }
0x72: {  	_ =	shalt  }
0x73: {  	_ =	shalt  }
0x74: {  	_ =	shalt  }
0x75: {  	_ =	shalt  }
0x76: {  	_ =	shalt  }
0x77: {  	_ =	shalt  }
0x78: {  	_ =	shalt  }
0x79: {  	_ =	shalt  }
0x7a: {  	_ =	shalt  }
0x7b: {  	_ =	shalt  }
0x7c: {  	_ =	shalt  }
0x7d: {  	_ =	shalt  }
0x7e: {  	_ =	shalt  }
0x7f: {  	_ =	shalt  }
0x80: {  	_ =	shalt  }
0x81: {  	_ =	shalt  }
0x82: {  	_ =	shalt  }
0x83: {  	_ =	shalt  }
0x84: {  	_ =	shalt  }
0x85: {  	_ =	shalt  }
0x86: {  	_ =	shalt  }
0x87: {  	_ =	shalt  }
.Lfunc_end0:
.L_simem_size_0:
called_computation_lowered:
.L_overlay_start_0:
0x88: {  	s2 =	sld [smem:$0x3FD9]  }
0x89: {  	s3 =	sld [smem:$0x3FFE];
	_ =	sdelay $0x1  }
0x8a: {  	s1 =	srdreg.scid  }
0x8b: {  	s0 =	sand.u32 $0x1, s1  }
0x8c: {  	s16 =	sshll.u32 s0, $0xA;
	s2 =	sadd.s32 s3, s2  }
0x8d: {  	s2 =	sadd.s32 s2, s16  }
0x8e: {  	[smem:$0x3FBA] =	sst s2  }
0x8f: {  	_ = 	snop  }
0x90: {  	(tm) =	ssettm $0x1  }
0x91: {  	s17 =	sld [smem:$0x3FFB];
	_ =	sdelay $0x3  }
0x92: {  	_ =	strace s17  }
0x93: {  	s2 =	sld [smem:$0x3FFC];
	_ =	sdelay $0x3  }
0x94: {  	_ =	strace s2  }
0x95: {  	s2 =	sld [smem:$0x3FFD];
	_ =	sdelay $0x3  }
0x96: {  	_ =	strace s2  }
0x97: {  	_ =	strace $0x8FFFFFFF  }
0x98: {  	s18 =	sld [smem:$0x3FDB];
	_ =	sdelay $0x1  }
0x99: {  	s19 =	simm.s32 $_scs_section_size  }
0x9a: {  	s4 =	simm.s32 $_size__tile_overlayer_lowered;
	s5 =	simm.s32 $_tile_overlayer_lowered  }
0x9b: {  	s22 =	simm.s32 $0x1BFF;
	s21 =	sshll.u32 s5, $0x1;
	s2 =	sadd.s32 s19, s18  }
0x9c: {  	s6 =	simm.s32 $0x0;
	s20 =	sshll.u32 s4, $0x1;
	s4 =	sadd.s32 s21, s2  }
0x9d: {  	[timem:s6], [sflag:s22] =	dma.local [hbm:s4], s20  }
0x9e: {  	_ =	swait.ge [sflag:s22], s20  }
0x9f: {  	s3 =	ssub.s32 $0x0, s20;
	[sflag:s22] =	ssyncset.done $0x0  }
0xa0: {  	[sflag:s22] =	ssyncadd.s32 s3;
	_ =	sdelay $0x1  }
0xa1: {  	s23 =	simm.s32 $0x1B8B  }
0xa2: {  	_ =	swait.ge [sflag:s23], $0x1  }
0xa3: {  	[sflag:s23] =	ssyncset.done $0x0  }
0xa4: {  	s25 =	simm.s32 $0x1B8E;
	s24 =	sld [smem:$0x3FFE];
	[sflag:s23] =	ssyncadd.s32 $0xFFFFFFFF  }
0xa5: {  	s26 =	simm.s32 $execute0_lowered;
	[smem:$0x3FD2] =	sst s25  }
0xa6: {  	s4 =	sshll.u32 s26, $0x1;
	_ =	strace $0x80000046;
	[dreg:$0x1] =	wrdreg $0xFFFFFFFF  }
0xa7: {  	s28 =	simm.s32 $_size_execute0_lowered;
	s2 =	sadd.s32 s2, s4;
	[dreg:$0x0] =	wrdreg $0x0  }
0xa8: {  	s4 =	sshll.u32 s28, $0x1;
	[dreg:$0x2] =	wrdreg s2  }
0xa9: {  	[dreg:$0x3] =	wrdreg s4  }
0xaa: {  	[dreg:$0x4] =	wrdreg $0xC0  }
0xab: {  	_ =	task [dreg:s6], $0x5FFFF  }
0xac: {  	[dreg:$0x1] =	wrdreg $0xFFFFFFFF  }
0xad: {  	[dreg:$0x0] =	wrdreg $0x60  }
0xae: {  	[dreg:$0x2] =	wrdreg s24  }
0xaf: {  	[dreg:$0x3] =	wrdreg $0x9  }
0xb0: {  	_ =	task.clear_ibuf [dreg:s6], $0x4FFFF;
	_ =	strace $0x90000046  }
0xb1: {  	s29 =	simm.s32 $0x9;
	_ =	strace $0x80000048  }
0xb2: {  	_ =	swait.ge [sflag:s29], $0x1  }
0xb3: {  	[sflag:s29] =	ssyncadd.s32 $0xFFFFFFFF  }
0xb4: {  	_ =	strace $0x90000048  }
0xb5: {  	_ =	sfence  }
0xb6: {  	s30 =	sld [smem:$0x0];
	_ =	sdelay $0x2  }
0xb7: {  	s31 =	sshll.u32 s1, $0xD;
	s1 =	sshrl.u32 s1, $0x2  }
0xb8: {  	s3 =	sand.u32 $0x4000, s31;
	s1 =	sadd.s32 s1, s30  }
0xb9: {  	s0 =	sor.u32 s3, s0;
	s1 =	sshll.u32 s1, $0x11  }
0xba: {  	s0 =	sor.u32 s1, s0  }
0xbb: {  	s0 =	sadd.s32 $0x8F2B, s0  }
0xbc: {  	[sflag:s0] =	ssyncadd.remote.s32 $0x1  }
0xbd: {  	_ =	sfence.sel $0xFFFF  }
0xbe: {  	[dreg:$0x0] =	wrdreg $0xFFFFFFFF;
	(pc) =	sbr.abs _section_cstart, $3  }
0xbf: {  	[dreg:$0x1] =	wrdreg $0xFFFFFFFF  }
0xc0: {  	_ =	task.clear_ibuf [dreg:s6], $0x2FFFF;
	_ =	strace $0x9FFFFFFF  }
0xc1: {  	(tm) =	ssettm $0x7FFFFFFF  }
tec
execute0_lowered:
.L_overlay_start_1:
0x0: {  	(tag) =	ssettag $0x1  }
0x1: {  	s1 =	srdreg.scid  }
0x2: {  	s0 =	stileid.u32;
	s4 =	rddreg [dreg:$0x0]  }
0x3: {  	s2 =	simm.s32 $0x0;
	s12 =	simm.s32 $0x80;
	s14 =	simm.s32 $0x15200  }
0x4: {  	s15 =	simm.s32 $0x1;
	s16 =	simm.s32 $0x11200;
	s17 =	simm.s32 $0x2  }
0x5: {  	s18 =	simm.s32 $0x0;
	s5 =	sand.u32 $0x1, s1;
	s3 =	sshll.u32 s0, $0x1  }
0x6: {  	[smem:$0x7FF] =	sst s2;
	s8 =	sshrl.u32 s0, $0x1;
	s6 =	sor.u32 s5, s3  }
0x7: {  	_ =	strace $0x80000047;
	s5 =	ssub.s32 $0x2, s5;
	s10 =	sshll.u32 s8, $0x14  }
0x8: {  	s30 =	sshll.u32 s8, $0x17;
	s13 =	sshll.u32 s8, $0xC;
	s3 =	sshll.u32 s6, $0xD  }
0x9: {  	s6 =	sshll.u32 s6, $0x8;
	s9 =	sshrl.u32 s5, $0x1;
	v0 =	vmov s13;
	s13 =	simm.s32 $0x11180  }
0xa: {  	s7 =	sadd.s32 s3, s4;
	s3 =	sadd.s32 $0x143800, s4;
	s4 =	sadd.s32 $0x1C3800, s4  }
.Ltmp0:
0xb: {  	s6 =	sand.u32 $0x300, s6;
	s9 =	ssub.s32 s5, s9;
	(pc) =	sbr.rel .LBB2_1-.Ltmp0, $4  }
0xc: {  	s11 =	sshll.u32 s6, $0xA;
	s5 =	sadd.s32 $0x3800, s7;
	s31 =	sshll.u32 s6, $0xD  }
0xd: {  	s8 =	smax.u32 s9, $0x1;
	s29 =	sor.u32 s10, s11;
	s10 =	sor.u32 s30, s31  }
0xe: {  	v1 =	vlaneseq.u32;
	s11 =	simm.s32 $0x5;
	s7 =	sadd.s32 s29, s4;
	s9 =	sadd.s32 $0xFFFF8000, s10  }
0xf: {  	v2 =	vor.u32 $0x10, v1;
	v3 =	vor.u32 $0x20, v1;
	v4 =	vor.u32 $0x30, v1;
	s10 =	sadd.s32 $0xFFFFC000, s10;
	s6 =	sadd.s32 $0x3F000, s7;
	s7 =	sadd.s32 $0x3F800, s7  }
.LBB2_35:
0x10: {  	_ =	swait.ge [sflag:s15], $0x4000  }
0x11: {  	[sflag:s15] =	ssyncset.done $0x0  }
0x12: {  	[sflag:s15] =	ssyncadd.s32 $0xFFFFC000  }
0x13: {  	[hbm4b:s6+s2] =	stream.linear.scatter [tilespmem:s16], [sflag:$0x5], $0x4000, $0x38;
	[tilespmem:$0x19200] =	vst v63  }
0x14: {  	_ =	swait.ge [sflag:s11], $0x4000  }
0x15: {  	[sflag:s11] =	ssyncset.done $0x0  }
0x16: {  	[sflag:s11] =	ssyncadd.s32 $0xFFFFC000  }
0x17: {  	s18 =	sadd.s32 $0x1, s18;
	_ =	swait.ge [sflag:s17], $0x4000  }
0x18: {  	p0 =	sne.s32 s18, s8;
	[sflag:s17] =	ssyncset.done $0x0  }
.Ltmp1:
0x19: {  	[sflag:s17] =	ssyncadd.s32 $0xFFFFC000;
	(pc) =	sbr.rel @!p0 .LBB2_36-.Ltmp1, $4  }
0x1a: {  	[hbm4b:s7+s2] =	stream.linear.scatter [tilespmem:s14], [sflag:$0x5], $0x4000, $0x38;
	[tilespmem:$0x19200] =	vst v63  }
0x1b: {  	_ =	swait.ge [sflag:s11], $0x4000  }
0x1c: {  	[sflag:s11] =	ssyncset.done $0x0  }
0x1d: {  	[sflag:s11] =	ssyncadd.s32 $0xFFFFC000  }
.LBB2_1:
.Ltmp2:
0x1e: {  	(pc) =	sbr.rel .LBB2_2-.Ltmp2, $4  }
0x1f: {  	[tilespmem:s2], [sflag:$0x5] =	stream.linear.gather [hbm4b:s5+s2], $0x10000, $0x38;
	[tilespmem:$0x19200] =	vst v63  }
0x20: {  	_ =	swait.ge [sflag:s11], $0x10000  }
0x21: {  	[sflag:s11] =	ssyncset.done $0x0  }
0x22: {  	s19 =	simm.s32 $0x0;
	[sflag:s11] =	ssyncadd.s32 $0xFFFF0000  }
.LBB2_34:
0x23: {  	v5 =	vld [tilespmem:$0x10000];
	_ =	sdelay $0x2  }
0x24: {  	v6 =	vld [tilespmem:$0x10010]  }
0x25: {  	v7 =	vld [tilespmem:$0x10020]  }
0x26: {  	v8 =	vmov s21;
	v10 =	vld [tilespmem:$0x10030];
	v9 =	vbroadcast v5, $0x0  }
0x27: {  	vm0 =	vgt.s32 v8, v1  }
0x28: {  	vm13 =	vgt.s32 v8, v2;
	v5 =	vsel vm0, v5, v9  }
0x29: {  	vm14 =	vgt.s32 v8, v3;
	v6 =	vsel vm13, v6, v9;
	v5 =	vadd.s32 v0, v5  }
0x2a: {  	vm15 =	vgt.s32 v8, v4;
	v6 =	vadd.s32 v0, v6;
	[tilespmem:$0x111C0] =	vst v5;
	v5 =	vsel vm14, v7, v9  }
0x2b: {  	[tilespmem:$0x111D0] =	vst v6;
	v6 =	vsel vm15, v10, v9;
	v5 =	vadd.s32 v0, v5  }
0x2c: {  	[tilespmem:$0x111E0] =	vst v5;
	v5 =	vadd.s32 v0, v6  }
0x2d: {  	s1 =	simm.s32 @!p0 $0x4;
	[tilespmem:$0x111F0] =	vst v5  }
0x2e: {  	_ =	swait.ge @!p0 [sflag:s1], $0x4000  }
0x2f: {  	s19 =	sadd.s32 $0x1, s19;
	[sflag:s1] =	ssyncset.done @!p0 $0x0  }
0x30: {  	[sflag:s1] =	ssyncadd.s32 @!p0 $0xFFFFC000;
	p0 =	sne.s32 s19, $0x40  }
.Ltmp3:
0x31: {  	_ = 	snop;
	(pc) =	sbr.rel @!p0 .LBB2_35-.Ltmp3, $2  }
0x32: {  	_ =	sdelay $0x2  }
0x33: {  	[tilespmem:s14], [sflag:$0x2] =	stream.indirect.gather [hbm4b:s3+s12], $0x80, s13, s12, $0xb8;
	[tilespmem:$0x19200] =	vst v63  }
.LBB2_2:
0x34: {  	p0 =	seq.s32 s19, $0x0  }
0x35: {  	s20 =	simm.s32 @!p0 $0x1  }
0x36: {  	s21 =	sshll.u32 @!p0 s19, $0xF;
	_ =	swait.ge @!p0 [sflag:s20], $0x4000  }
0x37: {  	s21 =	sadd.s32 @!p0 s9, s21;
	[sflag:s20] =	ssyncset.done @!p0 $0x0  }
.Ltmp4:
0x38: {  	[sflag:s20] =	ssyncadd.s32 @!p0 $0xFFFFC000;
	s20 =	sshrl.u32 @!p0 s21, $0x3;
	(pc) =	sbr.rel .LBB2_3-.Ltmp4, $4  }
0x39: {  	s22 =	simm.s32 @!p0 $0x11200;
	s21 =	simm.s32 @!p0 $0x0;
	s20 =	sadd.s32 @!p0 s4, s20  }
0x3a: {  	[hbm4b:s20+s21] =	stream.linear.scatter @!p0 [tilespmem:s22], [sflag:$0x3], $0x4000, $0x38;
	[tilespmem:$0x19200] =	vst v63  }
0x3b: {  	s20 =	sshll.u32 s19, $0xC  }
0x3c: {  	s23 =	simm.s32 $0x0;
	s22 =	simm.s32 $0x0;
	s21 =	sshrl.u32 s20, $0x2  }
.LBB2_9:
0x3d: {  	p1 =	sgt.u32 s23, $0xE  }
0x3e: {  	p2 =	slt.s32 @!p1 s22, $0x40  }
0x3f: {  	p1 =	por p1, !p2  }
.Ltmp5:
0x40: {  	_ = 	snop;
	(pc) =	sbr.rel @p1 .LBB2_10-.Ltmp5, $2  }
0x41: {  	_ =	sdelay $0x2  }
0x42: {  	s23 =	sadd.s32 $0x1, s23  }
.LBB2_3:
0x43: {  	s24 =	sshll.u32 s23, $0x4  }
0x44: {  	s25 =	sand.u32 $0x80, s24  }
0x45: {  	s24 =	sand.u32 $0x70, s24;
	s25 =	sadd.s32 s25, s21  }
0x46: {  	s24 =	sadd.s32 s24, s25  }
0x47: {  	v5 =	vld [tilespmem:s24+$0x0];
	_ =	sdelay $0x4  }
0x48: {  	v5 =	vtrunc.f32 v5  }
0x49: {  	v5 =	vcvt.f32.s32 v5;
	_ =	sdelay $0x1  }
0x4a: {  	vm0 =	vne.s32 v5, $0x0  }
0x4b: {  	v6 =	vmpcnt.ones.xlane vm0;
	_ =	sdelay $0x1  }
0x4c: {  	(v2sf) =	vpush v6, $0x0;
	_ =	sdelay $0xe  }
0x4d: {  	s24 =	spop (v2sf)  }
0x4e: {  	p1 =	slt.s32 s24, $0x1  }
.Ltmp6:
0x4f: {  	_ = 	snop;
	(pc) =	sbr.rel @p1 .LBB2_9-.Ltmp6, $2  }
0x50: {  	_ =	sdelay $0x2  }
0x51: {  	[tilespmem:$0x11080] =	vst v5  }
.Ltmp7:
0x52: {  	(pc) =	sbr.rel .LBB2_5-.Ltmp7, $3  }
0x53: {  	_ =	sdelay $0x1  }
0x54: {  	s25 =	sshll.u32 s23, $0x8  }
0x55: {  	s26 =	simm.s32 $0x0;
	s25 =	sadd.s32 $0xFFFFFF81, s25  }
.LBB2_8:
0x56: {  	s26 =	sadd.s32 $0x1, s26  }
0x57: {  	p1 =	sne.s32 s26, s24  }
.Ltmp8:
0x58: {  	_ = 	snop;
	(pc) =	sbr.rel @!p1 .LBB2_9-.Ltmp8, $3  }
0x59: {  	v5 =	vbroadcast v5, $0x0;
	_ =	sdelay $0x1  }
0x5a: {  	vm1 =	vne.s32 v5, v1  }
0x5b: {  	vm0 =	vmand vm0, vm1  }
.LBB2_5:
0x5c: {  	v5 =	vmctz.xlane vm0;
	_ =	sdelay $0x1  }
0x5d: {  	(v2sf) =	vpush v5, $0x0;
	_ =	sdelay $0xe  }
0x5e: {  	s29 =	spop (v2sf)  }
0x5f: {  	v6 =	vld [tilespmem:s29+$0x11080];
	_ =	sdelay $0x4  }
0x60: {  	(v2sf) =	vpush v6, $0x0;
	_ =	sdelay $0xe  }
0x61: {  	s28 =	spop (v2sf)  }
0x62: {  	p1 =	slt.s32 s28, $0x1  }
.Ltmp9:
0x63: {  	_ = 	snop;
	(pc) =	sbr.rel @p1 .LBB2_8-.Ltmp9, $1  }
0x64: {  	_ =	sdelay $0x3  }
0x65: {  	s30 =	sshll.u32 s22, $0x2  }
0x66: {  	s29 =	sshll.u32 s29, $0x4;
	s30 =	sshra.s32 s30, $0x2  }
0x67: {  	s29 =	sadd.s32 s29, s25;
	s30 =	sadd.s32 $0x10000, s30  }
.LBB2_7:
0x68: {  	s31 =	ssub.s32 $0x0, s28;
	s1 =	sadd.s32 $0x7FFFFFFF, s28  }
0x69: {  	s31 =	sand.u32 s31, s28;
	s28 =	sand.u32 s28, s1  }
0x6a: {  	s31 =	scvt.s32.f32 s31;
	p1 =	sne.s32 s28, $0x0  }
.Ltmp10:
0x6b: {  	_ = 	snop;
	(pc) =	sbr.rel @p1 .LBB2_7-.Ltmp10, $4  }
0x6c: {  	s31 =	sshrl.u32 s31, $0x17  }
0x6d: {  	s31 =	sadd.s32 s31, s29  }
0x6e: {  	v6 =	vmov s31  }
0x6f: {  	s22 =	sadd.s32 $0x1, s22;
	[tilespmem:s30+$0x0] =	vst v6;
	s30 =	sadd.s32 $0x1, s30  }
.Ltmp11:
0x70: {  	_ = 	snop;
	(pc) =	sbr.rel .LBB2_8-.Ltmp11, $1  }
0x71: {  	_ =	sdelay $0x3  }
.LBB2_10:
0x72: {  	v5 =	vld [tilespmem:$0x10000];
	_ =	sdelay $0x2  }
0x73: {  	v6 =	vld [tilespmem:$0x10010]  }
0x74: {  	v7 =	vld [tilespmem:$0x10020]  }
0x75: {  	v8 =	vmov s22;
	v10 =	vld [tilespmem:$0x10030];
	v9 =	vbroadcast v5, $0x0  }
0x76: {  	vm0 =	vgt.s32 v8, v1  }
0x77: {  	vm13 =	vgt.s32 v8, v2;
	v5 =	vsel vm0, v5, v9  }
.Ltmp12:
0x78: {  	vm14 =	vgt.s32 v8, v3;
	v6 =	vsel vm13, v6, v9;
	v5 =	vadd.s32 v0, v5;
	(pc) =	sbr.rel .LBB2_11-.Ltmp12, $4  }
0x79: {  	vm15 =	vgt.s32 v8, v4;
	v6 =	vadd.s32 v0, v6;
	[tilespmem:$0x11100] =	vst v5;
	v5 =	vsel vm14, v7, v9  }
0x7a: {  	[tilespmem:$0x11110] =	vst v6;
	v6 =	vsel vm15, v10, v9;
	v5 =	vadd.s32 v0, v5  }
0x7b: {  	[tilespmem:$0x11120] =	vst v5;
	v5 =	vadd.s32 v0, v6  }
0x7c: {  	s23 =	simm.s32 $0x0;
	s22 =	simm.s32 $0x0;
	[tilespmem:$0x11130] =	vst v5  }
.LBB2_17:
0x7d: {  	p1 =	sgt.u32 s23, $0xE  }
0x7e: {  	p2 =	slt.s32 @!p1 s22, $0x40  }
0x7f: {  	p1 =	por p1, !p2  }
.Ltmp13:
0x80: {  	_ = 	snop;
	(pc) =	sbr.rel @p1 .LBB2_18-.Ltmp13, $2  }
0x81: {  	_ =	sdelay $0x2  }
0x82: {  	s23 =	sadd.s32 $0x1, s23  }
.LBB2_11:
0x83: {  	s1 =	sshll.u32 s23, $0x4  }
0x84: {  	s24 =	sand.u32 $0x80, s1  }
0x85: {  	s1 =	sand.u32 $0x70, s1;
	s24 =	sadd.s32 s24, s21  }
0x86: {  	s1 =	sadd.s32 s1, s24  }
0x87: {  	v5 =	vld [tilespmem:s1+$0x100];
	_ =	sdelay $0x4  }
0x88: {  	v5 =	vtrunc.f32 v5  }
0x89: {  	v5 =	vcvt.f32.s32 v5;
	_ =	sdelay $0x1  }
0x8a: {  	vm0 =	vne.s32 v5, $0x0  }
0x8b: {  	v6 =	vmpcnt.ones.xlane vm0;
	_ =	sdelay $0x1  }
0x8c: {  	(v2sf) =	vpush v6, $0x0;
	_ =	sdelay $0xe  }
0x8d: {  	s24 =	spop (v2sf)  }
0x8e: {  	p1 =	slt.s32 s24, $0x1  }
.Ltmp14:
0x8f: {  	_ = 	snop;
	(pc) =	sbr.rel @p1 .LBB2_17-.Ltmp14, $2  }
0x90: {  	_ =	sdelay $0x2  }
0x91: {  	[tilespmem:$0x11080] =	vst v5  }
.Ltmp15:
0x92: {  	(pc) =	sbr.rel .LBB2_13-.Ltmp15, $3  }
0x93: {  	_ =	sdelay $0x1  }
0x94: {  	s1 =	sshll.u32 s23, $0x8  }
0x95: {  	s26 =	simm.s32 $0x0;
	s25 =	sadd.s32 $0xFFFFFF81, s1  }
.LBB2_16:
0x96: {  	s26 =	sadd.s32 $0x1, s26  }
0x97: {  	p1 =	sne.s32 s26, s24  }
.Ltmp16:
0x98: {  	_ = 	snop;
	(pc) =	sbr.rel @!p1 .LBB2_17-.Ltmp16, $3  }
0x99: {  	v5 =	vbroadcast v5, $0x0;
	_ =	sdelay $0x1  }
0x9a: {  	vm1 =	vne.s32 v5, v1  }
0x9b: {  	vm0 =	vmand vm0, vm1  }
.LBB2_13:
0x9c: {  	v5 =	vmctz.xlane vm0;
	_ =	sdelay $0x1  }
0x9d: {  	(v2sf) =	vpush v5, $0x0;
	_ =	sdelay $0xe  }
0x9e: {  	s29 =	spop (v2sf)  }
0x9f: {  	v6 =	vld [tilespmem:s29+$0x11080];
	_ =	sdelay $0x4  }
0xa0: {  	(v2sf) =	vpush v6, $0x0;
	_ =	sdelay $0xe  }
0xa1: {  	s28 =	spop (v2sf)  }
0xa2: {  	p1 =	slt.s32 s28, $0x1  }
.Ltmp17:
0xa3: {  	_ = 	snop;
	(pc) =	sbr.rel @p1 .LBB2_16-.Ltmp17, $1  }
0xa4: {  	_ =	sdelay $0x3  }
0xa5: {  	s1 =	sshll.u32 s22, $0x2  }
0xa6: {  	s29 =	sshll.u32 s29, $0x4;
	s1 =	sshra.s32 s1, $0x2  }
0xa7: {  	s29 =	sadd.s32 s29, s25;
	s30 =	sadd.s32 $0x10000, s1  }
.LBB2_15:
0xa8: {  	s1 =	ssub.s32 $0x0, s28;
	s31 =	sadd.s32 $0x7FFFFFFF, s28  }
0xa9: {  	s1 =	sand.u32 s1, s28;
	s28 =	sand.u32 s28, s31  }
0xaa: {  	s1 =	scvt.s32.f32 s1;
	p1 =	sne.s32 s28, $0x0  }
.Ltmp18:
0xab: {  	_ = 	snop;
	(pc) =	sbr.rel @p1 .LBB2_15-.Ltmp18, $4  }
0xac: {  	s1 =	sshrl.u32 s1, $0x17  }
0xad: {  	s1 =	sadd.s32 s1, s29  }
0xae: {  	v6 =	vmov s1  }
0xaf: {  	s22 =	sadd.s32 $0x1, s22;
	[tilespmem:s30+$0x0] =	vst v6;
	s30 =	sadd.s32 $0x1, s30  }
.Ltmp19:
0xb0: {  	_ = 	snop;
	(pc) =	sbr.rel .LBB2_16-.Ltmp19, $1  }
0xb1: {  	_ =	sdelay $0x3  }
.LBB2_18:
0xb2: {  	v5 =	vld [tilespmem:$0x10000];
	_ =	sdelay $0x2  }
0xb3: {  	v6 =	vld [tilespmem:$0x10010]  }
0xb4: {  	v7 =	vld [tilespmem:$0x10020]  }
0xb5: {  	v8 =	vmov s22;
	v10 =	vld [tilespmem:$0x10030];
	v9 =	vbroadcast v5, $0x0  }
0xb6: {  	vm0 =	vgt.s32 v8, v1  }
0xb7: {  	vm13 =	vgt.s32 v8, v2;
	v5 =	vsel vm0, v5, v9  }
0xb8: {  	vm14 =	vgt.s32 v8, v3;
	v6 =	vsel vm13, v6, v9;
	v5 =	vadd.s32 v0, v5  }
0xb9: {  	vm15 =	vgt.s32 v8, v4;
	v6 =	vadd.s32 v0, v6;
	[tilespmem:$0x11140] =	vst v5;
	v5 =	vsel vm14, v7, v9  }
0xba: {  	[tilespmem:$0x11150] =	vst v6;
	v6 =	vsel vm15, v10, v9;
	v5 =	vadd.s32 v0, v5  }
0xbb: {  	p1 =	sne.s32 s19, $0x0;
	[tilespmem:$0x11160] =	vst v5;
	v5 =	vadd.s32 v0, v6  }
0xbc: {  	s1 =	simm.s32 @p1 $0x3;
	[tilespmem:$0x11170] =	vst v5  }
0xbd: {  	_ =	swait.ge @p1 [sflag:s1], $0x4000  }
0xbe: {  	s21 =	simm.s32 @p1 $0x11100;
	[sflag:s1] =	ssyncset.done @p1 $0x0  }
0xbf: {  	s22 =	simm.s32 @p1 $0x11200;
	[sflag:s1] =	ssyncadd.s32 @p1 $0xFFFFC000;
	s1 =	simm.s32 @p1 $0x80  }
0xc0: {  	[tilespmem:s22], [sflag:$0x1] =	stream.indirect.gather @p1 [hbm4b:s3+s1], $0x80, s21, s1, $0xb8;
	[tilespmem:$0x19200] =	vst v63  }
0xc1: {  	s1 =	simm.s32 @p1 $0x2  }
0xc2: {  	s20 =	sor.u32 @p1 $0x800, s20;
	s21 =	sshll.u32 @p1 s19, $0xF;
	_ =	swait.ge @p1 [sflag:s1], $0x4000  }
0xc3: {  	s20 =	simm.s32 @!p1 $0x800;
	s21 =	sadd.s32 @p1 s10, s21;
	[sflag:s1] =	ssyncset.done @p1 $0x0  }
0xc4: {  	s22 =	simm.s32 @p1 $0x15200;
	[sflag:s1] =	ssyncadd.s32 @p1 $0xFFFFC000;
	s1 =	sshrl.u32 @p1 s21, $0x3  }
.Ltmp20:
0xc5: {  	s21 =	simm.s32 @p1 $0x0;
	s1 =	sadd.s32 @p1 s4, s1;
	(pc) =	sbr.rel .LBB2_19-.Ltmp20, $4  }
0xc6: {  	[hbm4b:s1+s21] =	stream.linear.scatter @p1 [tilespmem:s22], [sflag:$0x4], $0x4000, $0x38;
	[tilespmem:$0x19200] =	vst v63  }
0xc7: {  	s1 =	simm.s32 @!p1 $0x80;
	s21 =	simm.s32 @!p1 $0x11100;
	s22 =	simm.s32 @!p1 $0x11200  }
0xc8: {  	[tilespmem:s22], [sflag:$0x1] =	stream.indirect.gather @!p1 [hbm4b:s3+s1], $0x80, s21, s1, $0xb8;
	[tilespmem:$0x19200] =	vst v63  }
0xc9: {  	s20 =	sshrl.u32 s20, $0x2;
	s22 =	simm.s32 $0x0;
	s21 =	simm.s32 $0x0  }
.LBB2_25:
0xca: {  	p1 =	sgt.u32 s22, $0xE  }
0xcb: {  	p2 =	slt.s32 @!p1 s21, $0x40  }
0xcc: {  	p1 =	por p1, !p2  }
.Ltmp21:
0xcd: {  	_ = 	snop;
	(pc) =	sbr.rel @p1 .LBB2_26-.Ltmp21, $2  }
0xce: {  	_ =	sdelay $0x2  }
0xcf: {  	s22 =	sadd.s32 $0x1, s22  }
.LBB2_19:
0xd0: {  	s1 =	sshll.u32 s22, $0x4  }
0xd1: {  	s23 =	sand.u32 $0x80, s1  }
0xd2: {  	s1 =	sand.u32 $0x70, s1;
	s23 =	sadd.s32 s23, s20  }
0xd3: {  	s1 =	sadd.s32 s1, s23  }
0xd4: {  	v5 =	vld [tilespmem:s1+$0x0];
	_ =	sdelay $0x4  }
0xd5: {  	v5 =	vtrunc.f32 v5  }
0xd6: {  	v5 =	vcvt.f32.s32 v5;
	_ =	sdelay $0x1  }
0xd7: {  	vm0 =	vne.s32 v5, $0x0  }
0xd8: {  	v6 =	vmpcnt.ones.xlane vm0;
	_ =	sdelay $0x1  }
0xd9: {  	(v2sf) =	vpush v6, $0x0;
	_ =	sdelay $0xe  }
0xda: {  	s23 =	spop (v2sf)  }
0xdb: {  	p1 =	slt.s32 s23, $0x1  }
.Ltmp22:
0xdc: {  	_ = 	snop;
	(pc) =	sbr.rel @p1 .LBB2_25-.Ltmp22, $2  }
0xdd: {  	_ =	sdelay $0x2  }
0xde: {  	[tilespmem:$0x11080] =	vst v5  }
.Ltmp23:
0xdf: {  	(pc) =	sbr.rel .LBB2_21-.Ltmp23, $3  }
0xe0: {  	_ =	sdelay $0x1  }
0xe1: {  	s1 =	sshll.u32 s22, $0x8  }
0xe2: {  	s25 =	simm.s32 $0x0;
	s24 =	sadd.s32 $0xFFFFFF81, s1  }
.LBB2_24:
0xe3: {  	s25 =	sadd.s32 $0x1, s25  }
0xe4: {  	p1 =	sne.s32 s25, s23  }
.Ltmp24:
0xe5: {  	_ = 	snop;
	(pc) =	sbr.rel @!p1 .LBB2_25-.Ltmp24, $3  }
0xe6: {  	v5 =	vbroadcast v5, $0x0;
	_ =	sdelay $0x1  }
0xe7: {  	vm1 =	vne.s32 v5, v1  }
0xe8: {  	vm0 =	vmand vm0, vm1  }
.LBB2_21:
0xe9: {  	v5 =	vmctz.xlane vm0;
	_ =	sdelay $0x1  }
0xea: {  	(v2sf) =	vpush v5, $0x0;
	_ =	sdelay $0xe  }
0xeb: {  	s28 =	spop (v2sf)  }
0xec: {  	v6 =	vld [tilespmem:s28+$0x11080];
	_ =	sdelay $0x4  }
0xed: {  	(v2sf) =	vpush v6, $0x0;
	_ =	sdelay $0xe  }
0xee: {  	s26 =	spop (v2sf)  }
0xef: {  	p1 =	slt.s32 s26, $0x1  }
.Ltmp25:
0xf0: {  	_ = 	snop;
	(pc) =	sbr.rel @p1 .LBB2_24-.Ltmp25, $1  }
0xf1: {  	_ =	sdelay $0x3  }
0xf2: {  	s1 =	sshll.u32 s21, $0x2  }
0xf3: {  	s28 =	sshll.u32 s28, $0x4;
	s1 =	sshra.s32 s1, $0x2  }
0xf4: {  	s28 =	sadd.s32 s28, s24;
	s29 =	sadd.s32 $0x10000, s1  }
.LBB2_23:
0xf5: {  	s1 =	ssub.s32 $0x0, s26;
	s30 =	sadd.s32 $0x7FFFFFFF, s26  }
0xf6: {  	s1 =	sand.u32 s1, s26;
	s26 =	sand.u32 s26, s30  }
0xf7: {  	s1 =	scvt.s32.f32 s1;
	p1 =	sne.s32 s26, $0x0  }
.Ltmp26:
0xf8: {  	_ = 	snop;
	(pc) =	sbr.rel @p1 .LBB2_23-.Ltmp26, $4  }
0xf9: {  	s1 =	sshrl.u32 s1, $0x17  }
0xfa: {  	s1 =	sadd.s32 s1, s28  }
0xfb: {  	v6 =	vmov s1  }
0xfc: {  	s21 =	sadd.s32 $0x1, s21;
	[tilespmem:s29+$0x0] =	vst v6;
	s29 =	sadd.s32 $0x1, s29  }
.Ltmp27:
0xfd: {  	_ = 	snop;
	(pc) =	sbr.rel .LBB2_24-.Ltmp27, $1  }
0xfe: {  	_ =	sdelay $0x3  }
.LBB2_26:
0xff: {  	v5 =	vld [tilespmem:$0x10000];
	_ =	sdelay $0x2  }
0x100: {  	v6 =	vld [tilespmem:$0x10010]  }
0x101: {  	v7 =	vld [tilespmem:$0x10020]  }
0x102: {  	v8 =	vmov s21;
	v10 =	vld [tilespmem:$0x10030];
	v9 =	vbroadcast v5, $0x0  }
0x103: {  	vm0 =	vgt.s32 v8, v1  }
0x104: {  	vm13 =	vgt.s32 v8, v2;
	v5 =	vsel vm0, v5, v9  }
.Ltmp28:
0x105: {  	vm14 =	vgt.s32 v8, v3;
	v6 =	vsel vm13, v6, v9;
	v5 =	vadd.s32 v0, v5;
	(pc) =	sbr.rel .LBB2_27-.Ltmp28, $4  }
0x106: {  	vm15 =	vgt.s32 v8, v4;
	v6 =	vadd.s32 v0, v6;
	[tilespmem:$0x11180] =	vst v5;
	v5 =	vsel vm14, v7, v9  }
0x107: {  	[tilespmem:$0x11190] =	vst v6;
	v6 =	vsel vm15, v10, v9;
	v5 =	vadd.s32 v0, v5  }
0x108: {  	[tilespmem:$0x111A0] =	vst v5;
	v5 =	vadd.s32 v0, v6  }
0x109: {  	s22 =	simm.s32 $0x0;
	s21 =	simm.s32 $0x0;
	[tilespmem:$0x111B0] =	vst v5  }
.LBB2_33:
0x10a: {  	p1 =	sgt.u32 s22, $0xE  }
0x10b: {  	p2 =	slt.s32 @!p1 s21, $0x40  }
0x10c: {  	p1 =	por p1, !p2  }
.Ltmp29:
0x10d: {  	_ = 	snop;
	(pc) =	sbr.rel @p1 .LBB2_34-.Ltmp29, $2  }
0x10e: {  	_ =	sdelay $0x2  }
0x10f: {  	s22 =	sadd.s32 $0x1, s22  }
.LBB2_27:
0x110: {  	s1 =	sshll.u32 s22, $0x4  }
0x111: {  	s23 =	sand.u32 $0x80, s1  }
0x112: {  	s1 =	sand.u32 $0x70, s1;
	s23 =	sadd.s32 s23, s20  }
0x113: {  	s1 =	sadd.s32 s1, s23  }
0x114: {  	v5 =	vld [tilespmem:s1+$0x100];
	_ =	sdelay $0x4  }
0x115: {  	v5 =	vtrunc.f32 v5  }
0x116: {  	v5 =	vcvt.f32.s32 v5;
	_ =	sdelay $0x1  }
0x117: {  	vm0 =	vne.s32 v5, $0x0  }
0x118: {  	v6 =	vmpcnt.ones.xlane vm0;
	_ =	sdelay $0x1  }
0x119: {  	(v2sf) =	vpush v6, $0x0;
	_ =	sdelay $0xe  }
0x11a: {  	s23 =	spop (v2sf)  }
0x11b: {  	p1 =	slt.s32 s23, $0x1  }
.Ltmp30:
0x11c: {  	_ = 	snop;
	(pc) =	sbr.rel @p1 .LBB2_33-.Ltmp30, $2  }
0x11d: {  	_ =	sdelay $0x2  }
0x11e: {  	[tilespmem:$0x11080] =	vst v5  }
.Ltmp31:
0x11f: {  	(pc) =	sbr.rel .LBB2_29-.Ltmp31, $3  }
0x120: {  	_ =	sdelay $0x1  }
0x121: {  	s1 =	sshll.u32 s22, $0x8  }
0x122: {  	s25 =	simm.s32 $0x0;
	s24 =	sadd.s32 $0xFFFFFF81, s1  }
.LBB2_32:
0x123: {  	s25 =	sadd.s32 $0x1, s25  }
0x124: {  	p1 =	sne.s32 s25, s23  }
.Ltmp32:
0x125: {  	_ = 	snop;
	(pc) =	sbr.rel @!p1 .LBB2_33-.Ltmp32, $3  }
0x126: {  	v5 =	vbroadcast v5, $0x0;
	_ =	sdelay $0x1  }
0x127: {  	vm1 =	vne.s32 v5, v1  }
0x128: {  	vm0 =	vmand vm0, vm1  }
.LBB2_29:
0x129: {  	v5 =	vmctz.xlane vm0;
	_ =	sdelay $0x1  }
0x12a: {  	(v2sf) =	vpush v5, $0x0;
	_ =	sdelay $0xe  }
0x12b: {  	s28 =	spop (v2sf)  }
0x12c: {  	v6 =	vld [tilespmem:s28+$0x11080];
	_ =	sdelay $0x4  }
0x12d: {  	(v2sf) =	vpush v6, $0x0;
	_ =	sdelay $0xe  }
0x12e: {  	s26 =	spop (v2sf)  }
0x12f: {  	p1 =	slt.s32 s26, $0x1  }
.Ltmp33:
0x130: {  	_ = 	snop;
	(pc) =	sbr.rel @p1 .LBB2_32-.Ltmp33, $1  }
0x131: {  	_ =	sdelay $0x3  }
0x132: {  	s1 =	sshll.u32 s21, $0x2  }
0x133: {  	s28 =	sshll.u32 s28, $0x4;
	s1 =	sshra.s32 s1, $0x2  }
0x134: {  	s28 =	sadd.s32 s28, s24;
	s29 =	sadd.s32 $0x10000, s1  }
.LBB2_31:
0x135: {  	s1 =	ssub.s32 $0x0, s26;
	s30 =	sadd.s32 $0x7FFFFFFF, s26  }
0x136: {  	s1 =	sand.u32 s1, s26;
	s26 =	sand.u32 s26, s30  }
0x137: {  	s1 =	scvt.s32.f32 s1;
	p1 =	sne.s32 s26, $0x0  }
.Ltmp34:
0x138: {  	_ = 	snop;
	(pc) =	sbr.rel @p1 .LBB2_31-.Ltmp34, $4  }
0x139: {  	s1 =	sshrl.u32 s1, $0x17  }
0x13a: {  	s1 =	sadd.s32 s1, s28  }
0x13b: {  	v6 =	vmov s1  }
0x13c: {  	s21 =	sadd.s32 $0x1, s21;
	[tilespmem:s29+$0x0] =	vst v6;
	s29 =	sadd.s32 $0x1, s29  }
.Ltmp35:
0x13d: {  	_ = 	snop;
	(pc) =	sbr.rel .LBB2_32-.Ltmp35, $1  }
0x13e: {  	_ =	sdelay $0x3  }
.LBB2_36:
0x13f: {  	_ =	sfence.sel $0x180000  }
0x140: {  	[bflag:$0x0] =	sbarrier.arrive $0xFFFF  }
0x141: {  	_ =	strace $0x90000047  }
0x142: {  	[bflag:$0x2] =	sbarrier.arrive $0xFFFF  }
0x143: {  	p0 =	sne.s32 s0, $0x0;
	s0 =	rddreg [dreg:$0x1]  }
0x144: {  	s0 =	sadd.s32 @!p0 $0x100000, s0  }
0x145: {  	[sflag:s0] =	ssyncadd.tile.s32 @!p0 $0x1;
	_ =	shalt  }
.Lfunc_end2:
_tile_overlayer_lowered:
.L_overlay_start_2:
0x146: {  	(tag) =	ssettag $0x2  }
0x147: {  	s0 =	rddreg [dreg:$0x0];
	s2 =	stileid.u32  }
0x148: {  	s1 =	rddreg [dreg:$0x1];
	p0 =	sne.s32 s2, $0x0  }
0x149: {  	s3 =	rddreg [dreg:$0x2];
	[bflag:$0x3] =	sbarrier.arrive $0xFFFF;
	s2 =	simm.s32 @!p0 $0x1C05  }
0x14a: {  	[timem:s3], [sflag:s2] =	dma.local @!p0 [hbm:s0], s1  }
0x14b: {  	s0 =	simm.s32 @!p0 $0x5  }
0x14c: {  	_ =	swait.ge @!p0 [sflag:s0], s1  }
0x14d: {  	s1 =	ssub.s32 @!p0 $0x0, s1;
	[sflag:s0] =	ssyncset.done @!p0 $0x0  }
0x14e: {  	[sflag:s0] =	ssyncadd.s32 @!p0 s1  }
0x14f: {  	[bflag:$0x3] =	sbarrier.arrive $0xFFFF  }
0x150: {  	_ =	shalt  }

</sc_bundles>
